<compile_context>
chip_gen: v7x
topology: tpu7x:2x2x1
jax: 0.10.2.dev20260603
libtpu: 0.0.44.dev20260713+nightly
codegen_flags: <defaults>
</compile_context>

<pallas_src>
import functools

import jax
import jax.numpy as jnp
from jax import lax
from jax.experimental import pallas as pl
from jax.experimental.pallas import tpu as pltpu
from jax.experimental.pallas import tpu_sc as plsc

BATCH = 16384
HIST = 200
EMBED_DIM = 32
NUM_CORES = 2
NUM_SUBCORES = 16
NW = NUM_CORES * NUM_SUBCORES
B_PER_W = BATCH // NW
NB = 4
SPLITS = ((0, 96), (96, 104))
NCHUNK = B_PER_W // NB
NBUF = 2


def _gather_kernel(idx_hbm, table_hbm, out_hbm,
                   idx_v, rows_v, gsem0, gsem1, osem0, osem1):
    wid = lax.axis_index("s") * NUM_CORES + lax.axis_index("c")
    batch0 = wid * B_PER_W
    gsems = (gsem0, gsem1)
    osems = (osem0, osem1)

    def fire(c, b):
        b0 = pl.multiple_of(batch0 + c * NB, NB)
        pltpu.sync_copy(idx_hbm.at[pl.ds(b0, NB)], idx_v.at[b])
        for i in range(NB):
            for h0, hn in SPLITS:
                pltpu.async_copy(
                    table_hbm.at[idx_v.at[b].at[i].at[pl.ds(h0, hn)]],
                    rows_v.at[b].at[i].at[pl.ds(h0, hn)],
                    gsems[b],
                )

    def drain_gathers(b):
        for i in range(NB):
            for h0, hn in SPLITS:
                pltpu.make_async_copy(
                    table_hbm.at[idx_v.at[b].at[i].at[pl.ds(h0, hn)]],
                    rows_v.at[b].at[i].at[pl.ds(h0, hn)],
                    gsems[b],
                ).wait()

    def writeout_start(c, b):
        b0 = pl.multiple_of(batch0 + c * NB, NB)
        pltpu.async_copy(rows_v.at[b], out_hbm.at[pl.ds(b0, NB)], osems[b])

    def writeout_wait(c, b):
        b0 = pl.multiple_of(batch0 + c * NB, NB)
        pltpu.make_async_copy(
            rows_v.at[b], out_hbm.at[pl.ds(b0, NB)], osems[b]
        ).wait()

    def pair_body(p, carry):
        c0 = p * NBUF
        for b in range(NBUF):

            @pl.when(p > 0)
            def _():
                writeout_wait((p - 1) * NBUF + b, b)

            fire(c0 + b, b)
        for b in range(NBUF):
            drain_gathers(b)
            writeout_start(c0 + b, b)
        return carry

    lax.fori_loop(0, NCHUNK // NBUF, pair_body, 0)
    for b in range(NBUF):
        writeout_wait(NCHUNK - NBUF + b, b)


@jax.jit
def _run(time_idx, table):
    mesh = plsc.VectorSubcoreMesh(core_axis_name="c", subcore_axis_name="s")
    kfn = functools.partial(
        pl.kernel,
        mesh=mesh,
        out_type=jax.ShapeDtypeStruct((BATCH, HIST, EMBED_DIM), jnp.float32),
        scratch_types=[
            pltpu.VMEM((NBUF, NB, HIST), jnp.int32),
            pltpu.VMEM((NBUF, NB, HIST, EMBED_DIM), jnp.float32),
            pltpu.SemaphoreType.DMA,
            pltpu.SemaphoreType.DMA,
            pltpu.SemaphoreType.DMA,
            pltpu.SemaphoreType.DMA,
        ],
        compiler_params=pltpu.CompilerParams(use_tc_tiling_on_sc=False),
    )(_gather_kernel)
    return kfn(time_idx, table)


N128 = BATCH * HIST * EMBED_DIM // 128
BT = BATCH // 128


def _transpose_body(x_ref, o_ref):
    x = x_ref[...]
    x3 = x.reshape(128, HIST * EMBED_DIM // 128, 128)
    eye = jax.lax.broadcasted_iota(jnp.int32, (128, 128), 0)
    eye = (eye == jax.lax.broadcasted_iota(jnp.int32, (128, 128), 1))
    eye = eye.astype(jnp.float32)
    parts = []
    for r in range(HIST * EMBED_DIM // 128):
        m = x3[:, r, :]
        t = jax.lax.dot_general(m, eye, (((0,), (0,)), ((), ())),
                                precision=jax.lax.Precision.HIGHEST,
                                preferred_element_type=jnp.float32)
        parts.append(t.reshape(1, 128, 128))
    y = jnp.concatenate(parts, axis=0)
    o_ref[...] = y.reshape(HIST, EMBED_DIM // 8, 1, 8, 128)


@jax.jit
def _transpose(x2):
    return pl.pallas_call(
        _transpose_body,
        grid=(BT,),
        in_specs=[pl.BlockSpec((6400, 128), lambda g: (g, 0))],
        out_specs=pl.BlockSpec(
            (HIST, EMBED_DIM // 8, 1, 8, 128), lambda g: (0, 0, g, 0, 0)),
        out_shape=jax.ShapeDtypeStruct(
            (HIST, EMBED_DIM // 8, BT, 8, 128), jnp.float32),
    )(x2)


def kernel(time_idx, table):
    y = _run(time_idx, table)
    x2 = y.reshape(-1).reshape(N128, 128)
    z = _transpose(x2)
    return z.transpose(2, 4, 0, 1, 3).reshape(BATCH, HIST, EMBED_DIM)

# --- scband reference (transcript-rebuilt; emitter-appended) ---
"""Pipeline reference for scband-time-embeddings-53635551592503 (READ-ONLY COPY).

The authoritative reference and input builder live on the scoring server;
editing this copy changes nothing except your own understanding.
"""

import jax, jax.numpy as jnp
import numpy as np

NUM_TIMES = 100000
EMBED_DIM = 32
BATCH = 16384
HIST = 200

def setup_inputs(seed: int = 0) -> dict:
    key = jax.random.key(seed)
    k_idx, k_tab = jax.random.split(key)
    time_idx = jax.random.randint(k_idx, (BATCH, HIST), 0, NUM_TIMES, dtype=jnp.int64 if jax.config.jax_enable_x64 else jnp.int32)
    table = jax.random.normal(k_tab, (NUM_TIMES, EMBED_DIM), dtype=jnp.float32)
    return {"time_idx": time_idx, "table": table}

def reference(time_idx, table):
    # nn.Embedding forward: row gather from the embedding table
    embed = jnp.take(table, time_idx, axis=0)
    return embed

if __name__ == "__main__":
    import jax
    _d = setup_inputs()
    print(jax.jit(kernel)(*tuple(_d.values())))

</pallas_src>

<mosaic_0001>
#map = affine_map<(d0, d1) -> (0, 0)>
#map1 = affine_map<(d0, d1) -> (0, 0, 0)>
module attributes {stable_mosaic.version = 14 : i64} {
  func.func @_gather_kernel(%arg0: i32, %arg1: i32, %arg2: memref<16384x200xi32, #tpu.memory_space<hbm>>, %arg3: memref<100000x32xf32, #tpu.memory_space<hbm>>, %arg4: memref<16384x200x32xf32, #tpu.memory_space<hbm>>, %arg5: memref<2x4x200xi32, #tpu.memory_space<vmem>>, %arg6: memref<2x4x200x32xf32, #tpu.memory_space<vmem>>, %arg7: memref<!tpu.dma_semaphore, #tpu.memory_space<semaphore_mem>>, %arg8: memref<!tpu.dma_semaphore, #tpu.memory_space<semaphore_mem>>, %arg9: memref<!tpu.dma_semaphore, #tpu.memory_space<semaphore_mem>>, %arg10: memref<!tpu.dma_semaphore, #tpu.memory_space<semaphore_mem>>) attributes {dimension_semantics = [#tpu.dimension_semantics<core_parallel>, #tpu.dimension_semantics<subcore_parallel>], iteration_bounds = array<i64: 2, 16>, scalar_prefetch = 0 : i64, scratch_operands = 6 : i64, tpu.core_type = #tpu.core_type<sc_vector_subcore>, window_params = [{transform_indices = #map}, {transform_indices = #map}, {transform_indices = #map1}]} {
    %mul3A = arith.constant 2 : i32
    %mul3A_0 = arith.muli %arg1, %mul3A : i32
    %add3A = arith.addi %mul3A_0, %arg0 : i32
    %mul3A_1 = arith.constant 512 : i32
    %mul3A_2 = arith.muli %add3A, %mul3A_1 : i32
    %scan3A = arith.constant 0 : i32
    %scan3A_3 = arith.constant 0 : i32
    %scan3A_4 = arith.constant 64 : i32
    %scan3A_5 = arith.addi %scan3A_3, %scan3A_4 : i32
    %scan3A_6 = arith.constant 1 : i32
    scf.for %scan3A_46 = %scan3A_3 to %scan3A_5 step %scan3A_6  : i32 {
      %mul3A_47 = arith.constant 2 : i32
      %mul3A_48 = arith.muli %scan3A_46, %mul3A_47 : i32
      %gt3A = arith.constant 0 : i32
      %gt3A_49 = arith.cmpi sgt, %scan3A_46, %gt3A : i32
      %convert_element_type3A = arith.extui %gt3A_49 : i1 to i32
      %cond3A = arith.constant 0 : i32
      %cond3A_50 = arith.cmpi ne, %convert_element_type3A, %cond3A : i32
      scf.if %cond3A_50 {
        %sub3A = arith.constant 1 : i32
        %sub3A_1010 = arith.subi %scan3A_46, %sub3A : i32
        %mul3A_1011 = arith.constant 2 : i32
        %mul3A_1012 = arith.muli %sub3A_1010, %mul3A_1011 : i32
        %add3A_1013 = arith.constant 0 : i32
        %add3A_1014 = arith.addi %mul3A_1012, %add3A_1013 : i32
        %mul3A_1015 = arith.constant 4 : i32
        %mul3A_1016 = arith.muli %add3A_1014, %mul3A_1015 : i32
        %add3A_1017 = arith.addi %mul3A_2, %mul3A_1016 : i32
        %multiple_of3A_1018 = tpu.assume_multiple %add3A_1017, 4 : i32
        %dma_wait3A_1019 = arith.constant 0 : i32
        %dma_wait3A_1020 = arith.constant 0 : i32
        %dma_wait3A_1021 = arith.constant 0 : i32
        %dma_wait3A_1022 = arith.constant 0 : i32
        %dma_wait3A_1023 = tpu.memref_slice %arg6[%dma_wait3A_1019, %dma_wait3A_1020, %dma_wait3A_1021, %dma_wait3A_1022] : memref<2x4x200x32xf32, #tpu.memory_space<vmem>> -> memref<1x4x200x32xf32, #tpu.memory_space<vmem>>
        %dma_wait3A_1024 = tpu.memref_squeeze %dma_wait3A_1023 : memref<1x4x200x32xf32, #tpu.memory_space<vmem>> -> memref<4x200x32xf32, #tpu.memory_space<vmem>>
        %dma_wait3A_1025 = arith.constant 0 : i32
        %dma_wait3A_1026 = arith.constant 0 : i32
        %dma_wait3A_1027 = tpu.memref_slice %arg4[%multiple_of3A_1018, %dma_wait3A_1025, %dma_wait3A_1026] : memref<16384x200x32xf32, #tpu.memory_space<hbm>> -> memref<4x200x32xf32, #tpu.memory_space<hbm>>
        %dma_wait3A_1028 = arith.constant 0 : i32
        %dma_wait3A_1029 = arith.constant 0 : i32
        %dma_wait3A_1030 = tpu.memref_slice %arg4[%multiple_of3A_1018, %dma_wait3A_1028, %dma_wait3A_1029] : memref<16384x200x32xf32, #tpu.memory_space<hbm>> -> memref<4x200x32xf32, #tpu.memory_space<hbm>>
        %dma_wait3A_1031 = arith.constant 0 : i32
        %dma_wait3A_1032 = arith.constant 0 : i32
        %dma_wait3A_1033 = arith.constant 0 : i32
        %dma_wait3A_1034 = tpu.memref_slice %arg6[%dma_wait3A_1019, %dma_wait3A_1031, %dma_wait3A_1032, %dma_wait3A_1033] : memref<2x4x200x32xf32, #tpu.memory_space<vmem>> -> memref<1x4x200x32xf32, #tpu.memory_space<vmem>>
        %dma_wait3A_1035 = tpu.memref_squeeze %dma_wait3A_1034 : memref<1x4x200x32xf32, #tpu.memory_space<vmem>> -> memref<4x200x32xf32, #tpu.memory_space<vmem>>
        tpu.wait_dma2 semaphore(%arg9 : memref<!tpu.dma_semaphore, #tpu.memory_space<semaphore_mem>>) src(%dma_wait3A_1035 : memref<4x200x32xf32, #tpu.memory_space<vmem>>) dst(%dma_wait3A_1030 : memref<4x200x32xf32, #tpu.memory_space<hbm>>)
      } else {
      }
      %add3A_51 = arith.constant 0 : i32
      %add3A_52 = arith.addi %mul3A_48, %add3A_51 : i32
      %mul3A_53 = arith.constant 4 : i32
      %mul3A_54 = arith.muli %add3A_52, %mul3A_53 : i32
      %add3A_55 = arith.addi %mul3A_2, %mul3A_54 : i32
      %multiple_of3A_56 = tpu.assume_multiple %add3A_55, 4 : i32
      %run_scoped3A = arith.constant 0 : i32
      "tpu.region"() ({
        %run_scoped3A_1010 = tpu.sem_alloc : memref<!tpu.dma_semaphore, #tpu.memory_space<semaphore_mem>>
        %dma_start3A_1011 = arith.constant 0 : i32
        %dma_start3A_1012 = arith.constant 0 : i32
        %dma_start3A_1013 = tpu.memref_slice %arg5[%run_scoped3A, %dma_start3A_1011, %dma_start3A_1012] : memref<2x4x200xi32, #tpu.memory_space<vmem>> -> memref<1x4x200xi32, #tpu.memory_space<vmem>>
        %dma_start3A_1014 = tpu.memref_squeeze %dma_start3A_1013 : memref<1x4x200xi32, #tpu.memory_space<vmem>> -> memref<4x200xi32, #tpu.memory_space<vmem>>
        %dma_start3A_1015 = arith.constant 0 : i32
        %dma_start3A_1016 = tpu.memref_slice %arg2[%multiple_of3A_56, %dma_start3A_1015] : memref<16384x200xi32, #tpu.memory_space<hbm>> -> memref<4x200xi32, #tpu.memory_space<hbm>>
        %dma_start3A_1017 = arith.constant 0 : i32
        %dma_start3A_1018 = arith.constant 0 : i32
        %dma_start3A_1019 = tpu.memref_slice %arg5[%run_scoped3A, %dma_start3A_1017, %dma_start3A_1018] : memref<2x4x200xi32, #tpu.memory_space<vmem>> -> memref<1x4x200xi32, #tpu.memory_space<vmem>>
        %dma_start3A_1020 = tpu.memref_squeeze %dma_start3A_1019 : memref<1x4x200xi32, #tpu.memory_space<vmem>> -> memref<4x200xi32, #tpu.memory_space<vmem>>
        %dma_start3A_1021 = arith.constant 0 : i32
        %dma_start3A_1022 = tpu.memref_slice %arg2[%multiple_of3A_56, %dma_start3A_1021] : memref<16384x200xi32, #tpu.memory_space<hbm>> -> memref<4x200xi32, #tpu.memory_space<hbm>>
        tpu.enqueue_dma source(%dma_start3A_1022 : memref<4x200xi32, #tpu.memory_space<hbm>>) target(%dma_start3A_1020 : memref<4x200xi32, #tpu.memory_space<vmem>>) target_semaphore(%run_scoped3A_1010 : memref<!tpu.dma_semaphore, #tpu.memory_space<semaphore_mem>>)
        %dma_wait3A_1023 = arith.constant 0 : i32
        %dma_wait3A_1024 = arith.constant 0 : i32
        %dma_wait3A_1025 = tpu.memref_slice %arg5[%run_scoped3A, %dma_wait3A_1023, %dma_wait3A_1024] : memref<2x4x200xi32, #tpu.memory_space<vmem>> -> memref<1x4x200xi32, #tpu.memory_space<vmem>>
        %dma_wait3A_1026 = tpu.memref_squeeze %dma_wait3A_1025 : memref<1x4x200xi32, #tpu.memory_space<vmem>> -> memref<4x200xi32, #tpu.memory_space<vmem>>
        %dma_wait3A_1027 = arith.constant 0 : i32
        %dma_wait3A_1028 = tpu.memref_slice %arg2[%multiple_of3A_56, %dma_wait3A_1027] : memref<16384x200xi32, #tpu.memory_space<hbm>> -> memref<4x200xi32, #tpu.memory_space<hbm>>
        %dma_wait3A_1029 = arith.constant 0 : i32
        %dma_wait3A_1030 = arith.constant 0 : i32
        %dma_wait3A_1031 = tpu.memref_slice %arg5[%run_scoped3A, %dma_wait3A_1029, %dma_wait3A_1030] : memref<2x4x200xi32, #tpu.memory_space<vmem>> -> memref<1x4x200xi32, #tpu.memory_space<vmem>>
        %dma_wait3A_1032 = tpu.memref_squeeze %dma_wait3A_1031 : memref<1x4x200xi32, #tpu.memory_space<vmem>> -> memref<4x200xi32, #tpu.memory_space<vmem>>
        %dma_wait3A_1033 = arith.constant 0 : i32
        %dma_wait3A_1034 = tpu.memref_slice %arg2[%multiple_of3A_56, %dma_wait3A_1033] : memref<16384x200xi32, #tpu.memory_space<hbm>> -> memref<4x200xi32, #tpu.memory_space<hbm>>
        tpu.wait_dma2 semaphore(%run_scoped3A_1010 : memref<!tpu.dma_semaphore, #tpu.memory_space<semaphore_mem>>) src(%dma_wait3A_1034 : memref<4x200xi32, #tpu.memory_space<hbm>>) dst(%dma_wait3A_1032 : memref<4x200xi32, #tpu.memory_space<vmem>>)
        tpu.yield
      }) : () -> ()
      %dma_start3A = arith.constant 0 : i32
      %dma_start3A_57 = arith.constant 0 : i32
      %dma_start3A_58 = arith.constant 0 : i32
      %dma_start3A_59 = arith.constant 0 : i32
      %dma_start3A_60 = arith.constant 0 : i32
      %dma_start3A_61 = arith.constant 0 : i32
      %dma_start3A_62 = arith.constant 0 : i32
      %dma_start3A_63 = tpu.memref_slice %arg6[%dma_start3A_58, %dma_start3A_60, %dma_start3A_61, %dma_start3A_62] : memref<2x4x200x32xf32, #tpu.memory_space<vmem>> -> memref<1x4x200x32xf32, #tpu.memory_space<vmem>>
      %dma_start3A_64 = tpu.memref_squeeze %dma_start3A_63 : memref<1x4x200x32xf32, #tpu.memory_space<vmem>> -> memref<4x200x32xf32, #tpu.memory_space<vmem>>
      %dma_start3A_65 = arith.constant 0 : i32
      %dma_start3A_66 = arith.constant 0 : i32
      %dma_start3A_67 = tpu.memref_slice %dma_start3A_64[%dma_start3A_59, %dma_start3A_65, %dma_start3A_66] : memref<4x200x32xf32, #tpu.memory_space<vmem>> -> memref<1x200x32xf32, #tpu.memory_space<vmem>>
      %dma_start3A_68 = tpu.memref_squeeze %dma_start3A_67 : memref<1x200x32xf32, #tpu.memory_space<vmem>> -> memref<200x32xf32, #tpu.memory_space<vmem>>
      %dma_start3A_69 = arith.constant 0 : i32
      %dma_start3A_70 = arith.constant 0 : i32
      %dma_start3A_71 = tpu.memref_slice %dma_start3A_68[%dma_start3A_69, %dma_start3A_70] : memref<200x32xf32, #tpu.memory_space<vmem>> -> memref<96x32xf32, #tpu.memory_space<vmem>>
      %dma_start3A_72 = arith.constant 0 : i32
      %dma_start3A_73 = arith.constant 0 : i32
      %dma_start3A_74 = tpu.memref_slice %arg5[%dma_start3A, %dma_start3A_72, %dma_start3A_73] : memref<2x4x200xi32, #tpu.memory_space<vmem>> -> memref<1x4x200xi32, #tpu.memory_space<vmem>>
      %dma_start3A_75 = tpu.memref_squeeze %dma_start3A_74 : memref<1x4x200xi32, #tpu.memory_space<vmem>> -> memref<4x200xi32, #tpu.memory_space<vmem>>
      %dma_start3A_76 = arith.constant 0 : i32
      %dma_start3A_77 = tpu.memref_slice %dma_start3A_75[%dma_start3A_57, %dma_start3A_76] : memref<4x200xi32, #tpu.memory_space<vmem>> -> memref<1x200xi32, #tpu.memory_space<vmem>>
      %dma_start3A_78 = tpu.memref_squeeze %dma_start3A_77 : memref<1x200xi32, #tpu.memory_space<vmem>> -> memref<200xi32, #tpu.memory_space<vmem>>
      %dma_start3A_79 = arith.constant 0 : i32
      %dma_start3A_80 = tpu.memref_slice %dma_start3A_78[%dma_start3A_79] : memref<200xi32, #tpu.memory_space<vmem>> -> memref<96xi32, #tpu.memory_space<vmem>>
      %dma_start3A_81 = arith.constant 0 : i32
      %dma_start3A_82 = arith.constant 0 : i32
      %dma_start3A_83 = tpu.memref_slice %arg3[%dma_start3A_81, %dma_start3A_82] : memref<100000x32xf32, #tpu.memory_space<hbm>> -> memref<100000x32xf32, #tpu.memory_space<hbm>>
      tpu.enqueue_indirect_dma source(%dma_start3A_83 : memref<100000x32xf32, #tpu.memory_space<hbm>>) target(%dma_start3A_71 : memref<96x32xf32, #tpu.memory_space<vmem>>) offsets(%dma_start3A_80 : memref<96xi32, #tpu.memory_space<vmem>>) semaphore(%arg7 : memref<!tpu.dma_semaphore, #tpu.memory_space<semaphore_mem>>)
      %dma_start3A_84 = arith.constant 0 : i32
      %dma_start3A_85 = arith.constant 0 : i32
      %dma_start3A_86 = arith.constant 0 : i32
      %dma_start3A_87 = arith.constant 0 : i32
      %dma_start3A_88 = arith.constant 0 : i32
      %dma_start3A_89 = arith.constant 0 : i32
      %dma_start3A_90 = arith.constant 0 : i32
      %dma_start3A_91 = tpu.memref_slice %arg6[%dma_start3A_86, %dma_start3A_88, %dma_start3A_89, %dma_start3A_90] : memref<2x4x200x32xf32, #tpu.memory_space<vmem>> -> memref<1x4x200x32xf32, #tpu.memory_space<vmem>>
      %dma_start3A_92 = tpu.memref_squeeze %dma_start3A_91 : memref<1x4x200x32xf32, #tpu.memory_space<vmem>> -> memref<4x200x32xf32, #tpu.memory_space<vmem>>
      %dma_start3A_93 = arith.constant 0 : i32
      %dma_start3A_94 = arith.constant 0 : i32
      %dma_start3A_95 = tpu.memref_slice %dma_start3A_92[%dma_start3A_87, %dma_start3A_93, %dma_start3A_94] : memref<4x200x32xf32, #tpu.memory_space<vmem>> -> memref<1x200x32xf32, #tpu.memory_space<vmem>>
      %dma_start3A_96 = tpu.memref_squeeze %dma_start3A_95 : memref<1x200x32xf32, #tpu.memory_space<vmem>> -> memref<200x32xf32, #tpu.memory_space<vmem>>
      %dma_start3A_97 = arith.constant 96 : i32
      %dma_start3A_98 = arith.constant 0 : i32
      %dma_start3A_99 = tpu.memref_slice %dma_start3A_96[%dma_start3A_97, %dma_start3A_98] : memref<200x32xf32, #tpu.memory_space<vmem>> -> memref<104x32xf32, #tpu.memory_space<vmem>>
      %dma_start3A_100 = arith.constant 0 : i32
      %dma_start3A_101 = arith.constant 0 : i32
      %dma_start3A_102 = tpu.memref_slice %arg5[%dma_start3A_84, %dma_start3A_100, %dma_start3A_101] : memref<2x4x200xi32, #tpu.memory_space<vmem>> -> memref<1x4x200xi32, #tpu.memory_space<vmem>>
      %dma_start3A_103 = tpu.memref_squeeze %dma_start3A_102 : memref<1x4x200xi32, #tpu.memory_space<vmem>> -> memref<4x200xi32, #tpu.memory_space<vmem>>
      %dma_start3A_104 = arith.constant 0 : i32
      %dma_start3A_105 = tpu.memref_slice %dma_start3A_103[%dma_start3A_85, %dma_start3A_104] : memref<4x200xi32, #tpu.memory_space<vmem>> -> memref<1x200xi32, #tpu.memory_space<vmem>>
      %dma_start3A_106 = tpu.memref_squeeze %dma_start3A_105 : memref<1x200xi32, #tpu.memory_space<vmem>> -> memref<200xi32, #tpu.memory_space<vmem>>
      %dma_start3A_107 = arith.constant 96 : i32
      %dma_start3A_108 = tpu.memref_slice %dma_start3A_106[%dma_start3A_107] : memref<200xi32, #tpu.memory_space<vmem>> -> memref<104xi32, #tpu.memory_space<vmem>>
      %dma_start3A_109 = arith.constant 0 : i32
      %dma_start3A_110 = arith.constant 0 : i32
      %dma_start3A_111 = tpu.memref_slice %arg3[%dma_start3A_109, %dma_start3A_110] : memref<100000x32xf32, #tpu.memory_space<hbm>> -> memref<100000x32xf32, #tpu.memory_space<hbm>>
      tpu.enqueue_indirect_dma source(%dma_start3A_111 : memref<100000x32xf32, #tpu.memory_space<hbm>>) target(%dma_start3A_99 : memref<104x32xf32, #tpu.memory_space<vmem>>) offsets(%dma_start3A_108 : memref<104xi32, #tpu.memory_space<vmem>>) semaphore(%arg7 : memref<!tpu.dma_semaphore, #tpu.memory_space<semaphore_mem>>)
      %dma_start3A_112 = arith.constant 0 : i32
      %dma_start3A_113 = arith.constant 1 : i32
      %dma_start3A_114 = arith.constant 0 : i32
      %dma_start3A_115 = arith.constant 1 : i32
      %dma_start3A_116 = arith.constant 0 : i32
      %dma_start3A_117 = arith.constant 0 : i32
      %dma_start3A_118 = arith.constant 0 : i32
      %dma_start3A_119 = tpu.memref_slice %arg6[%dma_start3A_114, %dma_start3A_116, %dma_start3A_117, %dma_start3A_118] : memref<2x4x200x32xf32, #tpu.memory_space<vmem>> -> memref<1x4x200x32xf32, #tpu.memory_space<vmem>>
      %dma_start3A_120 = tpu.memref_squeeze %dma_start3A_119 : memref<1x4x200x32xf32, #tpu.memory_space<vmem>> -> memref<4x200x32xf32, #tpu.memory_space<vmem>>
      %dma_start3A_121 = arith.constant 0 : i32
      %dma_start3A_122 = arith.constant 0 : i32
      %dma_start3A_123 = tpu.memref_slice %dma_start3A_120[%dma_start3A_115, %dma_start3A_121, %dma_start3A_122] : memref<4x200x32xf32, #tpu.memory_space<vmem>> -> memref<1x200x32xf32, #tpu.memory_space<vmem>>
      %dma_start3A_124 = tpu.memref_squeeze %dma_start3A_123 : memref<1x200x32xf32, #tpu.memory_space<vmem>> -> memref<200x32xf32, #tpu.memory_space<vmem>>
      %dma_start3A_125 = arith.constant 0 : i32
      %dma_start3A_126 = arith.constant 0 : i32
      %dma_start3A_127 = tpu.memref_slice %dma_start3A_124[%dma_start3A_125, %dma_start3A_126] : memref<200x32xf32, #tpu.memory_space<vmem>> -> memref<96x32xf32, #tpu.memory_space<vmem>>
      %dma_start3A_128 = arith.constant 0 : i32
      %dma_start3A_129 = arith.constant 0 : i32
      %dma_start3A_130 = tpu.memref_slice %arg5[%dma_start3A_112, %dma_start3A_128, %dma_start3A_129] : memref<2x4x200xi32, #tpu.memory_space<vmem>> -> memref<1x4x200xi32, #tpu.memory_space<vmem>>
      %dma_start3A_131 = tpu.memref_squeeze %dma_start3A_130 : memref<1x4x200xi32, #tpu.memory_space<vmem>> -> memref<4x200xi32, #tpu.memory_space<vmem>>
      %dma_start3A_132 = arith.constant 0 : i32
      %dma_start3A_133 = tpu.memref_slice %dma_start3A_131[%dma_start3A_113, %dma_start3A_132] : memref<4x200xi32, #tpu.memory_space<vmem>> -> memref<1x200xi32, #tpu.memory_space<vmem>>
      %dma_start3A_134 = tpu.memref_squeeze %dma_start3A_133 : memref<1x200xi32, #tpu.memory_space<vmem>> -> memref<200xi32, #tpu.memory_space<vmem>>
      %dma_start3A_135 = arith.constant 0 : i32
      %dma_start3A_136 = tpu.memref_slice %dma_start3A_134[%dma_start3A_135] : memref<200xi32, #tpu.memory_space<vmem>> -> memref<96xi32, #tpu.memory_space<vmem>>
      %dma_start3A_137 = arith.constant 0 : i32
      %dma_start3A_138 = arith.constant 0 : i32
      %dma_start3A_139 = tpu.memref_slice %arg3[%dma_start3A_137, %dma_start3A_138] : memref<100000x32xf32, #tpu.memory_space<hbm>> -> memref<100000x32xf32, #tpu.memory_space<hbm>>
      tpu.enqueue_indirect_dma source(%dma_start3A_139 : memref<100000x32xf32, #tpu.memory_space<hbm>>) target(%dma_start3A_127 : memref<96x32xf32, #tpu.memory_space<vmem>>) offsets(%dma_start3A_136 : memref<96xi32, #tpu.memory_space<vmem>>) semaphore(%arg7 : memref<!tpu.dma_semaphore, #tpu.memory_space<semaphore_mem>>)
      %dma_start3A_140 = arith.constant 0 : i32
      %dma_start3A_141 = arith.constant 1 : i32
      %dma_start3A_142 = arith.constant 0 : i32
      %dma_start3A_143 = arith.constant 1 : i32
      %dma_start3A_144 = arith.constant 0 : i32
      %dma_start3A_145 = arith.constant 0 : i32
      %dma_start3A_146 = arith.constant 0 : i32
      %dma_start3A_147 = tpu.memref_slice %arg6[%dma_start3A_142, %dma_start3A_144, %dma_start3A_145, %dma_start3A_146] : memref<2x4x200x32xf32, #tpu.memory_space<vmem>> -> memref<1x4x200x32xf32, #tpu.memory_space<vmem>>
      %dma_start3A_148 = tpu.memref_squeeze %dma_start3A_147 : memref<1x4x200x32xf32, #tpu.memory_space<vmem>> -> memref<4x200x32xf32, #tpu.memory_space<vmem>>
      %dma_start3A_149 = arith.constant 0 : i32
      %dma_start3A_150 = arith.constant 0 : i32
      %dma_start3A_151 = tpu.memref_slice %dma_start3A_148[%dma_start3A_143, %dma_start3A_149, %dma_start3A_150] : memref<4x200x32xf32, #tpu.memory_space<vmem>> -> memref<1x200x32xf32, #tpu.memory_space<vmem>>
      %dma_start3A_152 = tpu.memref_squeeze %dma_start3A_151 : memref<1x200x32xf32, #tpu.memory_space<vmem>> -> memref<200x32xf32, #tpu.memory_space<vmem>>
      %dma_start3A_153 = arith.constant 96 : i32
      %dma_start3A_154 = arith.constant 0 : i32
      %dma_start3A_155 = tpu.memref_slice %dma_start3A_152[%dma_start3A_153, %dma_start3A_154] : memref<200x32xf32, #tpu.memory_space<vmem>> -> memref<104x32xf32, #tpu.memory_space<vmem>>
      %dma_start3A_156 = arith.constant 0 : i32
      %dma_start3A_157 = arith.constant 0 : i32
      %dma_start3A_158 = tpu.memref_slice %arg5[%dma_start3A_140, %dma_start3A_156, %dma_start3A_157] : memref<2x4x200xi32, #tpu.memory_space<vmem>> -> memref<1x4x200xi32, #tpu.memory_space<vmem>>
      %dma_start3A_159 = tpu.memref_squeeze %dma_start3A_158 : memref<1x4x200xi32, #tpu.memory_space<vmem>> -> memref<4x200xi32, #tpu.memory_space<vmem>>
      %dma_start3A_160 = arith.constant 0 : i32
      %dma_start3A_161 = tpu.memref_slice %dma_start3A_159[%dma_start3A_141, %dma_start3A_160] : memref<4x200xi32, #tpu.memory_space<vmem>> -> memref<1x200xi32, #tpu.memory_space<vmem>>
      %dma_start3A_162 = tpu.memref_squeeze %dma_start3A_161 : memref<1x200xi32, #tpu.memory_space<vmem>> -> memref<200xi32, #tpu.memory_space<vmem>>
      %dma_start3A_163 = arith.constant 96 : i32
      %dma_start3A_164 = tpu.memref_slice %dma_start3A_162[%dma_start3A_163] : memref<200xi32, #tpu.memory_space<vmem>> -> memref<104xi32, #tpu.memory_space<vmem>>
      %dma_start3A_165 = arith.constant 0 : i32
      %dma_start3A_166 = arith.constant 0 : i32
      %dma_start3A_167 = tpu.memref_slice %arg3[%dma_start3A_165, %dma_start3A_166] : memref<100000x32xf32, #tpu.memory_space<hbm>> -> memref<100000x32xf32, #tpu.memory_space<hbm>>
      tpu.enqueue_indirect_dma source(%dma_start3A_167 : memref<100000x32xf32, #tpu.memory_space<hbm>>) target(%dma_start3A_155 : memref<104x32xf32, #tpu.memory_space<vmem>>) offsets(%dma_start3A_164 : memref<104xi32, #tpu.memory_space<vmem>>) semaphore(%arg7 : memref<!tpu.dma_semaphore, #tpu.memory_space<semaphore_mem>>)
      %dma_start3A_168 = arith.constant 0 : i32
      %dma_start3A_169 = arith.constant 2 : i32
      %dma_start3A_170 = arith.constant 0 : i32
      %dma_start3A_171 = arith.constant 2 : i32
      %dma_start3A_172 = arith.constant 0 : i32
      %dma_start3A_173 = arith.constant 0 : i32
      %dma_start3A_174 = arith.constant 0 : i32
      %dma_start3A_175 = tpu.memref_slice %arg6[%dma_start3A_170, %dma_start3A_172, %dma_start3A_173, %dma_start3A_174] : memref<2x4x200x32xf32, #tpu.memory_space<vmem>> -> memref<1x4x200x32xf32, #tpu.memory_space<vmem>>
      %dma_start3A_176 = tpu.memref_squeeze %dma_start3A_175 : memref<1x4x200x32xf32, #tpu.memory_space<vmem>> -> memref<4x200x32xf32, #tpu.memory_space<vmem>>
      %dma_start3A_177 = arith.constant 0 : i32
      %dma_start3A_178 = arith.constant 0 : i32
      %dma_start3A_179 = tpu.memref_slice %dma_start3A_176[%dma_start3A_171, %dma_start3A_177, %dma_start3A_178] : memref<4x200x32xf32, #tpu.memory_space<vmem>> -> memref<1x200x32xf32, #tpu.memory_space<vmem>>
      %dma_start3A_180 = tpu.memref_squeeze %dma_start3A_179 : memref<1x200x32xf32, #tpu.memory_space<vmem>> -> memref<200x32xf32, #tpu.memory_space<vmem>>
      %dma_start3A_181 = arith.constant 0 : i32
      %dma_start3A_182 = arith.constant 0 : i32
      %dma_start3A_183 = tpu.memref_slice %dma_start3A_180[%dma_start3A_181, %dma_start3A_182] : memref<200x32xf32, #tpu.memory_space<vmem>> -> memref<96x32xf32, #tpu.memory_space<vmem>>
      %dma_start3A_184 = arith.constant 0 : i32
      %dma_start3A_185 = arith.constant 0 : i32
      %dma_start3A_186 = tpu.memref_slice %arg5[%dma_start3A_168, %dma_start3A_184, %dma_start3A_185] : memref<2x4x200xi32, #tpu.memory_space<vmem>> -> memref<1x4x200xi32, #tpu.memory_space<vmem>>
      %dma_start3A_187 = tpu.memref_squeeze %dma_start3A_186 : memref<1x4x200xi32, #tpu.memory_space<vmem>> -> memref<4x200xi32, #tpu.memory_space<vmem>>
      %dma_start3A_188 = arith.constant 0 : i32
      %dma_start3A_189 = tpu.memref_slice %dma_start3A_187[%dma_start3A_169, %dma_start3A_188] : memref<4x200xi32, #tpu.memory_space<vmem>> -> memref<1x200xi32, #tpu.memory_space<vmem>>
      %dma_start3A_190 = tpu.memref_squeeze %dma_start3A_189 : memref<1x200xi32, #tpu.memory_space<vmem>> -> memref<200xi32, #tpu.memory_space<vmem>>
      %dma_start3A_191 = arith.constant 0 : i32
      %dma_start3A_192 = tpu.memref_slice %dma_start3A_190[%dma_start3A_191] : memref<200xi32, #tpu.memory_space<vmem>> -> memref<96xi32, #tpu.memory_space<vmem>>
      %dma_start3A_193 = arith.constant 0 : i32
      %dma_start3A_194 = arith.constant 0 : i32
      %dma_start3A_195 = tpu.memref_slice %arg3[%dma_start3A_193, %dma_start3A_194] : memref<100000x32xf32, #tpu.memory_space<hbm>> -> memref<100000x32xf32, #tpu.memory_space<hbm>>
      tpu.enqueue_indirect_dma source(%dma_start3A_195 : memref<100000x32xf32, #tpu.memory_space<hbm>>) target(%dma_start3A_183 : memref<96x32xf32, #tpu.memory_space<vmem>>) offsets(%dma_start3A_192 : memref<96xi32, #tpu.memory_space<vmem>>) semaphore(%arg7 : memref<!tpu.dma_semaphore, #tpu.memory_space<semaphore_mem>>)
      %dma_start3A_196 = arith.constant 0 : i32
      %dma_start3A_197 = arith.constant 2 : i32
      %dma_start3A_198 = arith.constant 0 : i32
      %dma_start3A_199 = arith.constant 2 : i32
      %dma_start3A_200 = arith.constant 0 : i32
      %dma_start3A_201 = arith.constant 0 : i32
      %dma_start3A_202 = arith.constant 0 : i32
      %dma_start3A_203 = tpu.memref_slice %arg6[%dma_start3A_198, %dma_start3A_200, %dma_start3A_201, %dma_start3A_202] : memref<2x4x200x32xf32, #tpu.memory_space<vmem>> -> memref<1x4x200x32xf32, #tpu.memory_space<vmem>>
      %dma_start3A_204 = tpu.memref_squeeze %dma_start3A_203 : memref<1x4x200x32xf32, #tpu.memory_space<vmem>> -> memref<4x200x32xf32, #tpu.memory_space<vmem>>
      %dma_start3A_205 = arith.constant 0 : i32
      %dma_start3A_206 = arith.constant 0 : i32
      %dma_start3A_207 = tpu.memref_slice %dma_start3A_204[%dma_start3A_199, %dma_start3A_205, %dma_start3A_206] : memref<4x200x32xf32, #tpu.memory_space<vmem>> -> memref<1x200x32xf32, #tpu.memory_space<vmem>>
      %dma_start3A_208 = tpu.memref_squeeze %dma_start3A_207 : memref<1x200x32xf32, #tpu.memory_space<vmem>> -> memref<200x32xf32, #tpu.memory_space<vmem>>
      %dma_start3A_209 = arith.constant 96 : i32
      %dma_start3A_210 = arith.constant 0 : i32
      %dma_start3A_211 = tpu.memref_slice %dma_start3A_208[%dma_start3A_209, %dma_start3A_210] : memref<200x32xf32, #tpu.memory_space<vmem>> -> memref<104x32xf32, #tpu.memory_space<vmem>>
      %dma_start3A_212 = arith.constant 0 : i32
      %dma_start3A_213 = arith.constant 0 : i32
      %dma_start3A_214 = tpu.memref_slice %arg5[%dma_start3A_196, %dma_start3A_212, %dma_start3A_213] : memref<2x4x200xi32, #tpu.memory_space<vmem>> -> memref<1x4x200xi32, #tpu.memory_space<vmem>>
      %dma_start3A_215 = tpu.memref_squeeze %dma_start3A_214 : memref<1x4x200xi32, #tpu.memory_space<vmem>> -> memref<4x200xi32, #tpu.memory_space<vmem>>
      %dma_start3A_216 = arith.constant 0 : i32
      %dma_start3A_217 = tpu.memref_slice %dma_start3A_215[%dma_start3A_197, %dma_start3A_216] : memref<4x200xi32, #tpu.memory_space<vmem>> -> memref<1x200xi32, #tpu.memory_space<vmem>>
      %dma_start3A_218 = tpu.memref_squeeze %dma_start3A_217 : memref<1x200xi32, #tpu.memory_space<vmem>> -> memref<200xi32, #tpu.memory_space<vmem>>
      %dma_start3A_219 = arith.constant 96 : i32
      %dma_start3A_220 = tpu.memref_slice %dma_start3A_218[%dma_start3A_219] : memref<200xi32, #tpu.memory_space<vmem>> -> memref<104xi32, #tpu.memory_space<vmem>>
      %dma_start3A_221 = arith.constant 0 : i32
      %dma_start3A_222 = arith.constant 0 : i32
      %dma_start3A_223 = tpu.memref_slice %arg3[%dma_start3A_221, %dma_start3A_222] : memref<100000x32xf32, #tpu.memory_space<hbm>> -> memref<100000x32xf32, #tpu.memory_space<hbm>>
      tpu.enqueue_indirect_dma source(%dma_start3A_223 : memref<100000x32xf32, #tpu.memory_space<hbm>>) target(%dma_start3A_211 : memref<104x32xf32, #tpu.memory_space<vmem>>) offsets(%dma_start3A_220 : memref<104xi32, #tpu.memory_space<vmem>>) semaphore(%arg7 : memref<!tpu.dma_semaphore, #tpu.memory_space<semaphore_mem>>)
      %dma_start3A_224 = arith.constant 0 : i32
      %dma_start3A_225 = arith.constant 3 : i32
      %dma_start3A_226 = arith.constant 0 : i32
      %dma_start3A_227 = arith.constant 3 : i32
      %dma_start3A_228 = arith.constant 0 : i32
      %dma_start3A_229 = arith.constant 0 : i32
      %dma_start3A_230 = arith.constant 0 : i32
      %dma_start3A_231 = tpu.memref_slice %arg6[%dma_start3A_226, %dma_start3A_228, %dma_start3A_229, %dma_start3A_230] : memref<2x4x200x32xf32, #tpu.memory_space<vmem>> -> memref<1x4x200x32xf32, #tpu.memory_space<vmem>>
      %dma_start3A_232 = tpu.memref_squeeze %dma_start3A_231 : memref<1x4x200x32xf32, #tpu.memory_space<vmem>> -> memref<4x200x32xf32, #tpu.memory_space<vmem>>
      %dma_start3A_233 = arith.constant 0 : i32
      %dma_start3A_234 = arith.constant 0 : i32
      %dma_start3A_235 = tpu.memref_slice %dma_start3A_232[%dma_start3A_227, %dma_start3A_233, %dma_start3A_234] : memref<4x200x32xf32, #tpu.memory_space<vmem>> -> memref<1x200x32xf32, #tpu.memory_space<vmem>>
      %dma_start3A_236 = tpu.memref_squeeze %dma_start3A_235 : memref<1x200x32xf32, #tpu.memory_space<vmem>> -> memref<200x32xf32, #tpu.memory_space<vmem>>
      %dma_start3A_237 = arith.constant 0 : i32
      %dma_start3A_238 = arith.constant 0 : i32
      %dma_start3A_239 = tpu.memref_slice %dma_start3A_236[%dma_start3A_237, %dma_start3A_238] : memref<200x32xf32, #tpu.memory_space<vmem>> -> memref<96x32xf32, #tpu.memory_space<vmem>>
      %dma_start3A_240 = arith.constant 0 : i32
      %dma_start3A_241 = arith.constant 0 : i32
      %dma_start3A_242 = tpu.memref_slice %arg5[%dma_start3A_224, %dma_start3A_240, %dma_start3A_241] : memref<2x4x200xi32, #tpu.memory_space<vmem>> -> memref<1x4x200xi32, #tpu.memory_space<vmem>>
      %dma_start3A_243 = tpu.memref_squeeze %dma_start3A_242 : memref<1x4x200xi32, #tpu.memory_space<vmem>> -> memref<4x200xi32, #tpu.memory_space<vmem>>
      %dma_start3A_244 = arith.constant 0 : i32
      %dma_start3A_245 = tpu.memref_slice %dma_start3A_243[%dma_start3A_225, %dma_start3A_244] : memref<4x200xi32, #tpu.memory_space<vmem>> -> memref<1x200xi32, #tpu.memory_space<vmem>>
      %dma_start3A_246 = tpu.memref_squeeze %dma_start3A_245 : memref<1x200xi32, #tpu.memory_space<vmem>> -> memref<200xi32, #tpu.memory_space<vmem>>
      %dma_start3A_247 = arith.constant 0 : i32
      %dma_start3A_248 = tpu.memref_slice %dma_start3A_246[%dma_start3A_247] : memref<200xi32, #tpu.memory_space<vmem>> -> memref<96xi32, #tpu.memory_space<vmem>>
      %dma_start3A_249 = arith.constant 0 : i32
      %dma_start3A_250 = arith.constant 0 : i32
      %dma_start3A_251 = tpu.memref_slice %arg3[%dma_start3A_249, %dma_start3A_250] : memref<100000x32xf32, #tpu.memory_space<hbm>> -> memref<100000x32xf32, #tpu.memory_space<hbm>>
      tpu.enqueue_indirect_dma source(%dma_start3A_251 : memref<100000x32xf32, #tpu.memory_space<hbm>>) target(%dma_start3A_239 : memref<96x32xf32, #tpu.memory_space<vmem>>) offsets(%dma_start3A_248 : memref<96xi32, #tpu.memory_space<vmem>>) semaphore(%arg7 : memref<!tpu.dma_semaphore, #tpu.memory_space<semaphore_mem>>)
      %dma_start3A_252 = arith.constant 0 : i32
      %dma_start3A_253 = arith.constant 3 : i32
      %dma_start3A_254 = arith.constant 0 : i32
      %dma_start3A_255 = arith.constant 3 : i32
      %dma_start3A_256 = arith.constant 0 : i32
      %dma_start3A_257 = arith.constant 0 : i32
      %dma_start3A_258 = arith.constant 0 : i32
      %dma_start3A_259 = tpu.memref_slice %arg6[%dma_start3A_254, %dma_start3A_256, %dma_start3A_257, %dma_start3A_258] : memref<2x4x200x32xf32, #tpu.memory_space<vmem>> -> memref<1x4x200x32xf32, #tpu.memory_space<vmem>>
      %dma_start3A_260 = tpu.memref_squeeze %dma_start3A_259 : memref<1x4x200x32xf32, #tpu.memory_space<vmem>> -> memref<4x200x32xf32, #tpu.memory_space<vmem>>
      %dma_start3A_261 = arith.constant 0 : i32
      %dma_start3A_262 = arith.constant 0 : i32
      %dma_start3A_263 = tpu.memref_slice %dma_start3A_260[%dma_start3A_255, %dma_start3A_261, %dma_start3A_262] : memref<4x200x32xf32, #tpu.memory_space<vmem>> -> memref<1x200x32xf32, #tpu.memory_space<vmem>>
      %dma_start3A_264 = tpu.memref_squeeze %dma_start3A_263 : memref<1x200x32xf32, #tpu.memory_space<vmem>> -> memref<200x32xf32, #tpu.memory_space<vmem>>
      %dma_start3A_265 = arith.constant 96 : i32
      %dma_start3A_266 = arith.constant 0 : i32
      %dma_start3A_267 = tpu.memref_slice %dma_start3A_264[%dma_start3A_265, %dma_start3A_266] : memref<200x32xf32, #tpu.memory_space<vmem>> -> memref<104x32xf32, #tpu.memory_space<vmem>>
      %dma_start3A_268 = arith.constant 0 : i32
      %dma_start3A_269 = arith.constant 0 : i32
      %dma_start3A_270 = tpu.memref_slice %arg5[%dma_start3A_252, %dma_start3A_268, %dma_start3A_269] : memref<2x4x200xi32, #tpu.memory_space<vmem>> -> memref<1x4x200xi32, #tpu.memory_space<vmem>>
      %dma_start3A_271 = tpu.memref_squeeze %dma_start3A_270 : memref<1x4x200xi32, #tpu.memory_space<vmem>> -> memref<4x200xi32, #tpu.memory_space<vmem>>
      %dma_start3A_272 = arith.constant 0 : i32
      %dma_start3A_273 = tpu.memref_slice %dma_start3A_271[%dma_start3A_253, %dma_start3A_272] : memref<4x200xi32, #tpu.memory_space<vmem>> -> memref<1x200xi32, #tpu.memory_space<vmem>>
      %dma_start3A_274 = tpu.memref_squeeze %dma_start3A_273 : memref<1x200xi32, #tpu.memory_space<vmem>> -> memref<200xi32, #tpu.memory_space<vmem>>
      %dma_start3A_275 = arith.constant 96 : i32
      %dma_start3A_276 = tpu.memref_slice %dma_start3A_274[%dma_start3A_275] : memref<200xi32, #tpu.memory_space<vmem>> -> memref<104xi32, #tpu.memory_space<vmem>>
      %dma_start3A_277 = arith.constant 0 : i32
      %dma_start3A_278 = arith.constant 0 : i32
      %dma_start3A_279 = tpu.memref_slice %arg3[%dma_start3A_277, %dma_start3A_278] : memref<100000x32xf32, #tpu.memory_space<hbm>> -> memref<100000x32xf32, #tpu.memory_space<hbm>>
      tpu.enqueue_indirect_dma source(%dma_start3A_279 : memref<100000x32xf32, #tpu.memory_space<hbm>>) target(%dma_start3A_267 : memref<104x32xf32, #tpu.memory_space<vmem>>) offsets(%dma_start3A_276 : memref<104xi32, #tpu.memory_space<vmem>>) semaphore(%arg7 : memref<!tpu.dma_semaphore, #tpu.memory_space<semaphore_mem>>)
      %gt3A_280 = arith.constant 0 : i32
      %gt3A_281 = arith.cmpi sgt, %scan3A_46, %gt3A_280 : i32
      %convert_element_type3A_282 = arith.extui %gt3A_281 : i1 to i32
      %cond3A_283 = arith.constant 0 : i32
      %cond3A_284 = arith.cmpi ne, %convert_element_type3A_282, %cond3A_283 : i32
      scf.if %cond3A_284 {
        %sub3A = arith.constant 1 : i32
        %sub3A_1010 = arith.subi %scan3A_46, %sub3A : i32
        %mul3A_1011 = arith.constant 2 : i32
        %mul3A_1012 = arith.muli %sub3A_1010, %mul3A_1011 : i32
        %add3A_1013 = arith.constant 1 : i32
        %add3A_1014 = arith.addi %mul3A_1012, %add3A_1013 : i32
        %mul3A_1015 = arith.constant 4 : i32
        %mul3A_1016 = arith.muli %add3A_1014, %mul3A_1015 : i32
        %add3A_1017 = arith.addi %mul3A_2, %mul3A_1016 : i32
        %multiple_of3A_1018 = tpu.assume_multiple %add3A_1017, 4 : i32
        %dma_wait3A_1019 = arith.constant 1 : i32
        %dma_wait3A_1020 = arith.constant 0 : i32
        %dma_wait3A_1021 = arith.constant 0 : i32
        %dma_wait3A_1022 = arith.constant 0 : i32
        %dma_wait3A_1023 = tpu.memref_slice %arg6[%dma_wait3A_1019, %dma_wait3A_1020, %dma_wait3A_1021, %dma_wait3A_1022] : memref<2x4x200x32xf32, #tpu.memory_space<vmem>> -> memref<1x4x200x32xf32, #tpu.memory_space<vmem>>
        %dma_wait3A_1024 = tpu.memref_squeeze %dma_wait3A_1023 : memref<1x4x200x32xf32, #tpu.memory_space<vmem>> -> memref<4x200x32xf32, #tpu.memory_space<vmem>>
        %dma_wait3A_1025 = arith.constant 0 : i32
        %dma_wait3A_1026 = arith.constant 0 : i32
        %dma_wait3A_1027 = tpu.memref_slice %arg4[%multiple_of3A_1018, %dma_wait3A_1025, %dma_wait3A_1026] : memref<16384x200x32xf32, #tpu.memory_space<hbm>> -> memref<4x200x32xf32, #tpu.memory_space<hbm>>
        %dma_wait3A_1028 = arith.constant 0 : i32
        %dma_wait3A_1029 = arith.constant 0 : i32
        %dma_wait3A_1030 = tpu.memref_slice %arg4[%multiple_of3A_1018, %dma_wait3A_1028, %dma_wait3A_1029] : memref<16384x200x32xf32, #tpu.memory_space<hbm>> -> memref<4x200x32xf32, #tpu.memory_space<hbm>>
        %dma_wait3A_1031 = arith.constant 0 : i32
        %dma_wait3A_1032 = arith.constant 0 : i32
        %dma_wait3A_1033 = arith.constant 0 : i32
        %dma_wait3A_1034 = tpu.memref_slice %arg6[%dma_wait3A_1019, %dma_wait3A_1031, %dma_wait3A_1032, %dma_wait3A_1033] : memref<2x4x200x32xf32, #tpu.memory_space<vmem>> -> memref<1x4x200x32xf32, #tpu.memory_space<vmem>>
        %dma_wait3A_1035 = tpu.memref_squeeze %dma_wait3A_1034 : memref<1x4x200x32xf32, #tpu.memory_space<vmem>> -> memref<4x200x32xf32, #tpu.memory_space<vmem>>
        tpu.wait_dma2 semaphore(%arg10 : memref<!tpu.dma_semaphore, #tpu.memory_space<semaphore_mem>>) src(%dma_wait3A_1035 : memref<4x200x32xf32, #tpu.memory_space<vmem>>) dst(%dma_wait3A_1030 : memref<4x200x32xf32, #tpu.memory_space<hbm>>)
      } else {
      }
      %add3A_285 = arith.constant 1 : i32
      %add3A_286 = arith.addi %mul3A_48, %add3A_285 : i32
      %mul3A_287 = arith.constant 4 : i32
      %mul3A_288 = arith.muli %add3A_286, %mul3A_287 : i32
      %add3A_289 = arith.addi %mul3A_2, %mul3A_288 : i32
      %multiple_of3A_290 = tpu.assume_multiple %add3A_289, 4 : i32
      %run_scoped3A_291 = arith.constant 1 : i32
      "tpu.region"() ({
        %run_scoped3A_1010 = tpu.sem_alloc : memref<!tpu.dma_semaphore, #tpu.memory_space<semaphore_mem>>
        %dma_start3A_1011 = arith.constant 0 : i32
        %dma_start3A_1012 = arith.constant 0 : i32
        %dma_start3A_1013 = tpu.memref_slice %arg5[%run_scoped3A_291, %dma_start3A_1011, %dma_start3A_1012] : memref<2x4x200xi32, #tpu.memory_space<vmem>> -> memref<1x4x200xi32, #tpu.memory_space<vmem>>
        %dma_start3A_1014 = tpu.memref_squeeze %dma_start3A_1013 : memref<1x4x200xi32, #tpu.memory_space<vmem>> -> memref<4x200xi32, #tpu.memory_space<vmem>>
        %dma_start3A_1015 = arith.constant 0 : i32
        %dma_start3A_1016 = tpu.memref_slice %arg2[%multiple_of3A_290, %dma_start3A_1015] : memref<16384x200xi32, #tpu.memory_space<hbm>> -> memref<4x200xi32, #tpu.memory_space<hbm>>
        %dma_start3A_1017 = arith.constant 0 : i32
        %dma_start3A_1018 = arith.constant 0 : i32
        %dma_start3A_1019 = tpu.memref_slice %arg5[%run_scoped3A_291, %dma_start3A_1017, %dma_start3A_1018] : memref<2x4x200xi32, #tpu.memory_space<vmem>> -> memref<1x4x200xi32, #tpu.memory_space<vmem>>
        %dma_start3A_1020 = tpu.memref_squeeze %dma_start3A_1019 : memref<1x4x200xi32, #tpu.memory_space<vmem>> -> memref<4x200xi32, #tpu.memory_space<vmem>>
        %dma_start3A_1021 = arith.constant 0 : i32
        %dma_start3A_1022 = tpu.memref_slice %arg2[%multiple_of3A_290, %dma_start3A_1021] : memref<16384x200xi32, #tpu.memory_space<hbm>> -> memref<4x200xi32, #tpu.memory_space<hbm>>
        tpu.enqueue_dma source(%dma_start3A_1022 : memref<4x200xi32, #tpu.memory_space<hbm>>) target(%dma_start3A_1020 : memref<4x200xi32, #tpu.memory_space<vmem>>) target_semaphore(%run_scoped3A_1010 : memref<!tpu.dma_semaphore, #tpu.memory_space<semaphore_mem>>)
        %dma_wait3A_1023 = arith.constant 0 : i32
        %dma_wait3A_1024 = arith.constant 0 : i32
        %dma_wait3A_1025 = tpu.memref_slice %arg5[%run_scoped3A_291, %dma_wait3A_1023, %dma_wait3A_1024] : memref<2x4x200xi32, #tpu.memory_space<vmem>> -> memref<1x4x200xi32, #tpu.memory_space<vmem>>
        %dma_wait3A_1026 = tpu.memref_squeeze %dma_wait3A_1025 : memref<1x4x200xi32, #tpu.memory_space<vmem>> -> memref<4x200xi32, #tpu.memory_space<vmem>>
        %dma_wait3A_1027 = arith.constant 0 : i32
        %dma_wait3A_1028 = tpu.memref_slice %arg2[%multiple_of3A_290, %dma_wait3A_1027] : memref<16384x200xi32, #tpu.memory_space<hbm>> -> memref<4x200xi32, #tpu.memory_space<hbm>>
        %dma_wait3A_1029 = arith.constant 0 : i32
        %dma_wait3A_1030 = arith.constant 0 : i32
        %dma_wait3A_1031 = tpu.memref_slice %arg5[%run_scoped3A_291, %dma_wait3A_1029, %dma_wait3A_1030] : memref<2x4x200xi32, #tpu.memory_space<vmem>> -> memref<1x4x200xi32, #tpu.memory_space<vmem>>
        %dma_wait3A_1032 = tpu.memref_squeeze %dma_wait3A_1031 : memref<1x4x200xi32, #tpu.memory_space<vmem>> -> memref<4x200xi32, #tpu.memory_space<vmem>>
        %dma_wait3A_1033 = arith.constant 0 : i32
        %dma_wait3A_1034 = tpu.memref_slice %arg2[%multiple_of3A_290, %dma_wait3A_1033] : memref<16384x200xi32, #tpu.memory_space<hbm>> -> memref<4x200xi32, #tpu.memory_space<hbm>>
        tpu.wait_dma2 semaphore(%run_scoped3A_1010 : memref<!tpu.dma_semaphore, #tpu.memory_space<semaphore_mem>>) src(%dma_wait3A_1034 : memref<4x200xi32, #tpu.memory_space<hbm>>) dst(%dma_wait3A_1032 : memref<4x200xi32, #tpu.memory_space<vmem>>)
        tpu.yield
      }) : () -> ()
      %dma_start3A_292 = arith.constant 1 : i32
      %dma_start3A_293 = arith.constant 0 : i32
      %dma_start3A_294 = arith.constant 1 : i32
      %dma_start3A_295 = arith.constant 0 : i32
      %dma_start3A_296 = arith.constant 0 : i32
      %dma_start3A_297 = arith.constant 0 : i32
      %dma_start3A_298 = arith.constant 0 : i32
      %dma_start3A_299 = tpu.memref_slice %arg6[%dma_start3A_294, %dma_start3A_296, %dma_start3A_297, %dma_start3A_298] : memref<2x4x200x32xf32, #tpu.memory_space<vmem>> -> memref<1x4x200x32xf32, #tpu.memory_space<vmem>>
      %dma_start3A_300 = tpu.memref_squeeze %dma_start3A_299 : memref<1x4x200x32xf32, #tpu.memory_space<vmem>> -> memref<4x200x32xf32, #tpu.memory_space<vmem>>
      %dma_start3A_301 = arith.constant 0 : i32
      %dma_start3A_302 = arith.constant 0 : i32
      %dma_start3A_303 = tpu.memref_slice %dma_start3A_300[%dma_start3A_295, %dma_start3A_301, %dma_start3A_302] : memref<4x200x32xf32, #tpu.memory_space<vmem>> -> memref<1x200x32xf32, #tpu.memory_space<vmem>>
      %dma_start3A_304 = tpu.memref_squeeze %dma_start3A_303 : memref<1x200x32xf32, #tpu.memory_space<vmem>> -> memref<200x32xf32, #tpu.memory_space<vmem>>
      %dma_start3A_305 = arith.constant 0 : i32
      %dma_start3A_306 = arith.constant 0 : i32
      %dma_start3A_307 = tpu.memref_slice %dma_start3A_304[%dma_start3A_305, %dma_start3A_306] : memref<200x32xf32, #tpu.memory_space<vmem>> -> memref<96x32xf32, #tpu.memory_space<vmem>>
      %dma_start3A_308 = arith.constant 0 : i32
      %dma_start3A_309 = arith.constant 0 : i32
      %dma_start3A_310 = tpu.memref_slice %arg5[%dma_start3A_292, %dma_start3A_308, %dma_start3A_309] : memref<2x4x200xi32, #tpu.memory_space<vmem>> -> memref<1x4x200xi32, #tpu.memory_space<vmem>>
      %dma_start3A_311 = tpu.memref_squeeze %dma_start3A_310 : memref<1x4x200xi32, #tpu.memory_space<vmem>> -> memref<4x200xi32, #tpu.memory_space<vmem>>
      %dma_start3A_312 = arith.constant 0 : i32
      %dma_start3A_313 = tpu.memref_slice %dma_start3A_311[%dma_start3A_293, %dma_start3A_312] : memref<4x200xi32, #tpu.memory_space<vmem>> -> memref<1x200xi32, #tpu.memory_space<vmem>>
      %dma_start3A_314 = tpu.memref_squeeze %dma_start3A_313 : memref<1x200xi32, #tpu.memory_space<vmem>> -> memref<200xi32, #tpu.memory_space<vmem>>
      %dma_start3A_315 = arith.constant 0 : i32
      %dma_start3A_316 = tpu.memref_slice %dma_start3A_314[%dma_start3A_315] : memref<200xi32, #tpu.memory_space<vmem>> -> memref<96xi32, #tpu.memory_space<vmem>>
      %dma_start3A_317 = arith.constant 0 : i32
      %dma_start3A_318 = arith.constant 0 : i32
      %dma_start3A_319 = tpu.memref_slice %arg3[%dma_start3A_317, %dma_start3A_318] : memref<100000x32xf32, #tpu.memory_space<hbm>> -> memref<100000x32xf32, #tpu.memory_space<hbm>>
      tpu.enqueue_indirect_dma source(%dma_start3A_319 : memref<100000x32xf32, #tpu.memory_space<hbm>>) target(%dma_start3A_307 : memref<96x32xf32, #tpu.memory_space<vmem>>) offsets(%dma_start3A_316 : memref<96xi32, #tpu.memory_space<vmem>>) semaphore(%arg8 : memref<!tpu.dma_semaphore, #tpu.memory_space<semaphore_mem>>)
      %dma_start3A_320 = arith.constant 1 : i32
      %dma_start3A_321 = arith.constant 0 : i32
      %dma_start3A_322 = arith.constant 1 : i32
      %dma_start3A_323 = arith.constant 0 : i32
      %dma_start3A_324 = arith.constant 0 : i32
      %dma_start3A_325 = arith.constant 0 : i32
      %dma_start3A_326 = arith.constant 0 : i32
      %dma_start3A_327 = tpu.memref_slice %arg6[%dma_start3A_322, %dma_start3A_324, %dma_start3A_325, %dma_start3A_326] : memref<2x4x200x32xf32, #tpu.memory_space<vmem>> -> memref<1x4x200x32xf32, #tpu.memory_space<vmem>>
      %dma_start3A_328 = tpu.memref_squeeze %dma_start3A_327 : memref<1x4x200x32xf32, #tpu.memory_space<vmem>> -> memref<4x200x32xf32, #tpu.memory_space<vmem>>
      %dma_start3A_329 = arith.constant 0 : i32
      %dma_start3A_330 = arith.constant 0 : i32
      %dma_start3A_331 = tpu.memref_slice %dma_start3A_328[%dma_start3A_323, %dma_start3A_329, %dma_start3A_330] : memref<4x200x32xf32, #tpu.memory_space<vmem>> -> memref<1x200x32xf32, #tpu.memory_space<vmem>>
      %dma_start3A_332 = tpu.memref_squeeze %dma_start3A_331 : memref<1x200x32xf32, #tpu.memory_space<vmem>> -> memref<200x32xf32, #tpu.memory_space<vmem>>
      %dma_start3A_333 = arith.constant 96 : i32
      %dma_start3A_334 = arith.constant 0 : i32
      %dma_start3A_335 = tpu.memref_slice %dma_start3A_332[%dma_start3A_333, %dma_start3A_334] : memref<200x32xf32, #tpu.memory_space<vmem>> -> memref<104x32xf32, #tpu.memory_space<vmem>>
      %dma_start3A_336 = arith.constant 0 : i32
      %dma_start3A_337 = arith.constant 0 : i32
      %dma_start3A_338 = tpu.memref_slice %arg5[%dma_start3A_320, %dma_start3A_336, %dma_start3A_337] : memref<2x4x200xi32, #tpu.memory_space<vmem>> -> memref<1x4x200xi32, #tpu.memory_space<vmem>>
      %dma_start3A_339 = tpu.memref_squeeze %dma_start3A_338 : memref<1x4x200xi32, #tpu.memory_space<vmem>> -> memref<4x200xi32, #tpu.memory_space<vmem>>
      %dma_start3A_340 = arith.constant 0 : i32
      %dma_start3A_341 = tpu.memref_slice %dma_start3A_339[%dma_start3A_321, %dma_start3A_340] : memref<4x200xi32, #tpu.memory_space<vmem>> -> memref<1x200xi32, #tpu.memory_space<vmem>>
      %dma_start3A_342 = tpu.memref_squeeze %dma_start3A_341 : memref<1x200xi32, #tpu.memory_space<vmem>> -> memref<200xi32, #tpu.memory_space<vmem>>
      %dma_start3A_343 = arith.constant 96 : i32
      %dma_start3A_344 = tpu.memref_slice %dma_start3A_342[%dma_start3A_343] : memref<200xi32, #tpu.memory_space<vmem>> -> memref<104xi32, #tpu.memory_space<vmem>>
      %dma_start3A_345 = arith.constant 0 : i32
      %dma_start3A_346 = arith.constant 0 : i32
      %dma_start3A_347 = tpu.memref_slice %arg3[%dma_start3A_345, %dma_start3A_346] : memref<100000x32xf32, #tpu.memory_space<hbm>> -> memref<100000x32xf32, #tpu.memory_space<hbm>>
      tpu.enqueue_indirect_dma source(%dma_start3A_347 : memref<100000x32xf32, #tpu.memory_space<hbm>>) target(%dma_start3A_335 : memref<104x32xf32, #tpu.memory_space<vmem>>) offsets(%dma_start3A_344 : memref<104xi32, #tpu.memory_space<vmem>>) semaphore(%arg8 : memref<!tpu.dma_semaphore, #tpu.memory_space<semaphore_mem>>)
      %dma_start3A_348 = arith.constant 1 : i32
      %dma_start3A_349 = arith.constant 1 : i32
      %dma_start3A_350 = arith.constant 1 : i32
      %dma_start3A_351 = arith.constant 1 : i32
      %dma_start3A_352 = arith.constant 0 : i32
      %dma_start3A_353 = arith.constant 0 : i32
      %dma_start3A_354 = arith.constant 0 : i32
      %dma_start3A_355 = tpu.memref_slice %arg6[%dma_start3A_350, %dma_start3A_352, %dma_start3A_353, %dma_start3A_354] : memref<2x4x200x32xf32, #tpu.memory_space<vmem>> -> memref<1x4x200x32xf32, #tpu.memory_space<vmem>>
      %dma_start3A_356 = tpu.memref_squeeze %dma_start3A_355 : memref<1x4x200x32xf32, #tpu.memory_space<vmem>> -> memref<4x200x32xf32, #tpu.memory_space<vmem>>
      %dma_start3A_357 = arith.constant 0 : i32
      %dma_start3A_358 = arith.constant 0 : i32
      %dma_start3A_359 = tpu.memref_slice %dma_start3A_356[%dma_start3A_351, %dma_start3A_357, %dma_start3A_358] : memref<4x200x32xf32, #tpu.memory_space<vmem>> -> memref<1x200x32xf32, #tpu.memory_space<vmem>>
      %dma_start3A_360 = tpu.memref_squeeze %dma_start3A_359 : memref<1x200x32xf32, #tpu.memory_space<vmem>> -> memref<200x32xf32, #tpu.memory_space<vmem>>
      %dma_start3A_361 = arith.constant 0 : i32
      %dma_start3A_362 = arith.constant 0 : i32
      %dma_start3A_363 = tpu.memref_slice %dma_start3A_360[%dma_start3A_361, %dma_start3A_362] : memref<200x32xf32, #tpu.memory_space<vmem>> -> memref<96x32xf32, #tpu.memory_space<vmem>>
      %dma_start3A_364 = arith.constant 0 : i32
      %dma_start3A_365 = arith.constant 0 : i32
      %dma_start3A_366 = tpu.memref_slice %arg5[%dma_start3A_348, %dma_start3A_364, %dma_start3A_365] : memref<2x4x200xi32, #tpu.memory_space<vmem>> -> memref<1x4x200xi32, #tpu.memory_space<vmem>>
      %dma_start3A_367 = tpu.memref_squeeze %dma_start3A_366 : memref<1x4x200xi32, #tpu.memory_space<vmem>> -> memref<4x200xi32, #tpu.memory_space<vmem>>
      %dma_start3A_368 = arith.constant 0 : i32
      %dma_start3A_369 = tpu.memref_slice %dma_start3A_367[%dma_start3A_349, %dma_start3A_368] : memref<4x200xi32, #tpu.memory_space<vmem>> -> memref<1x200xi32, #tpu.memory_space<vmem>>
      %dma_start3A_370 = tpu.memref_squeeze %dma_start3A_369 : memref<1x200xi32, #tpu.memory_space<vmem>> -> memref<200xi32, #tpu.memory_space<vmem>>
      %dma_start3A_371 = arith.constant 0 : i32
      %dma_start3A_372 = tpu.memref_slice %dma_start3A_370[%dma_start3A_371] : memref<200xi32, #tpu.memory_space<vmem>> -> memref<96xi32, #tpu.memory_space<vmem>>
      %dma_start3A_373 = arith.constant 0 : i32
      %dma_start3A_374 = arith.constant 0 : i32
      %dma_start3A_375 = tpu.memref_slice %arg3[%dma_start3A_373, %dma_start3A_374] : memref<100000x32xf32, #tpu.memory_space<hbm>> -> memref<100000x32xf32, #tpu.memory_space<hbm>>
      tpu.enqueue_indirect_dma source(%dma_start3A_375 : memref<100000x32xf32, #tpu.memory_space<hbm>>) target(%dma_start3A_363 : memref<96x32xf32, #tpu.memory_space<vmem>>) offsets(%dma_start3A_372 : memref<96xi32, #tpu.memory_space<vmem>>) semaphore(%arg8 : memref<!tpu.dma_semaphore, #tpu.memory_space<semaphore_mem>>)
      %dma_start3A_376 = arith.constant 1 : i32
      %dma_start3A_377 = arith.constant 1 : i32
      %dma_start3A_378 = arith.constant 1 : i32
      %dma_start3A_379 = arith.constant 1 : i32
      %dma_start3A_380 = arith.constant 0 : i32
      %dma_start3A_381 = arith.constant 0 : i32
      %dma_start3A_382 = arith.constant 0 : i32
      %dma_start3A_383 = tpu.memref_slice %arg6[%dma_start3A_378, %dma_start3A_380, %dma_start3A_381, %dma_start3A_382] : memref<2x4x200x32xf32, #tpu.memory_space<vmem>> -> memref<1x4x200x32xf32, #tpu.memory_space<vmem>>
      %dma_start3A_384 = tpu.memref_squeeze %dma_start3A_383 : memref<1x4x200x32xf32, #tpu.memory_space<vmem>> -> memref<4x200x32xf32, #tpu.memory_space<vmem>>
      %dma_start3A_385 = arith.constant 0 : i32
      %dma_start3A_386 = arith.constant 0 : i32
      %dma_start3A_387 = tpu.memref_slice %dma_start3A_384[%dma_start3A_379, %dma_start3A_385, %dma_start3A_386] : memref<4x200x32xf32, #tpu.memory_space<vmem>> -> memref<1x200x32xf32, #tpu.memory_space<vmem>>
      %dma_start3A_388 = tpu.memref_squeeze %dma_start3A_387 : memref<1x200x32xf32, #tpu.memory_space<vmem>> -> memref<200x32xf32, #tpu.memory_space<vmem>>
      %dma_start3A_389 = arith.constant 96 : i32
      %dma_start3A_390 = arith.constant 0 : i32
      %dma_start3A_391 = tpu.memref_slice %dma_start3A_388[%dma_start3A_389, %dma_start3A_390] : memref<200x32xf32, #tpu.memory_space<vmem>> -> memref<104x32xf32, #tpu.memory_space<vmem>>
      %dma_start3A_392 = arith.constant 0 : i32
      %dma_start3A_393 = arith.constant 0 : i32
      %dma_start3A_394 = tpu.memref_slice %arg5[%dma_start3A_376, %dma_start3A_392, %dma_start3A_393] : memref<2x4x200xi32, #tpu.memory_space<vmem>> -> memref<1x4x200xi32, #tpu.memory_space<vmem>>
      %dma_start3A_395 = tpu.memref_squeeze %dma_start3A_394 : memref<1x4x200xi32, #tpu.memory_space<vmem>> -> memref<4x200xi32, #tpu.memory_space<vmem>>
      %dma_start3A_396 = arith.constant 0 : i32
      %dma_start3A_397 = tpu.memref_slice %dma_start3A_395[%dma_start3A_377, %dma_start3A_396] : memref<4x200xi32, #tpu.memory_space<vmem>> -> memref<1x200xi32, #tpu.memory_space<vmem>>
      %dma_start3A_398 = tpu.memref_squeeze %dma_start3A_397 : memref<1x200xi32, #tpu.memory_space<vmem>> -> memref<200xi32, #tpu.memory_space<vmem>>
      %dma_start3A_399 = arith.constant 96 : i32
      %dma_start3A_400 = tpu.memref_slice %dma_start3A_398[%dma_start3A_399] : memref<200xi32, #tpu.memory_space<vmem>> -> memref<104xi32, #tpu.memory_space<vmem>>
      %dma_start3A_401 = arith.constant 0 : i32
      %dma_start3A_402 = arith.constant 0 : i32
      %dma_start3A_403 = tpu.memref_slice %arg3[%dma_start3A_401, %dma_start3A_402] : memref<100000x32xf32, #tpu.memory_space<hbm>> -> memref<100000x32xf32, #tpu.memory_space<hbm>>
      tpu.enqueue_indirect_dma source(%dma_start3A_403 : memref<100000x32xf32, #tpu.memory_space<hbm>>) target(%dma_start3A_391 : memref<104x32xf32, #tpu.memory_space<vmem>>) offsets(%dma_start3A_400 : memref<104xi32, #tpu.memory_space<vmem>>) semaphore(%arg8 : memref<!tpu.dma_semaphore, #tpu.memory_space<semaphore_mem>>)
      %dma_start3A_404 = arith.constant 1 : i32
      %dma_start3A_405 = arith.constant 2 : i32
      %dma_start3A_406 = arith.constant 1 : i32
      %dma_start3A_407 = arith.constant 2 : i32
      %dma_start3A_408 = arith.constant 0 : i32
      %dma_start3A_409 = arith.constant 0 : i32
      %dma_start3A_410 = arith.constant 0 : i32
      %dma_start3A_411 = tpu.memref_slice %arg6[%dma_start3A_406, %dma_start3A_408, %dma_start3A_409, %dma_start3A_410] : memref<2x4x200x32xf32, #tpu.memory_space<vmem>> -> memref<1x4x200x32xf32, #tpu.memory_space<vmem>>
      %dma_start3A_412 = tpu.memref_squeeze %dma_start3A_411 : memref<1x4x200x32xf32, #tpu.memory_space<vmem>> -> memref<4x200x32xf32, #tpu.memory_space<vmem>>
      %dma_start3A_413 = arith.constant 0 : i32
      %dma_start3A_414 = arith.constant 0 : i32
      %dma_start3A_415 = tpu.memref_slice %dma_start3A_412[%dma_start3A_407, %dma_start3A_413, %dma_start3A_414] : memref<4x200x32xf32, #tpu.memory_space<vmem>> -> memref<1x200x32xf32, #tpu.memory_space<vmem>>
      %dma_start3A_416 = tpu.memref_squeeze %dma_start3A_415 : memref<1x200x32xf32, #tpu.memory_space<vmem>> -> memref<200x32xf32, #tpu.memory_space<vmem>>
      %dma_start3A_417 = arith.constant 0 : i32
      %dma_start3A_418 = arith.constant 0 : i32
      %dma_start3A_419 = tpu.memref_slice %dma_start3A_416[%dma_start3A_417, %dma_start3A_418] : memref<200x32xf32, #tpu.memory_space<vmem>> -> memref<96x32xf32, #tpu.memory_space<vmem>>
      %dma_start3A_420 = arith.constant 0 : i32
      %dma_start3A_421 = arith.constant 0 : i32
      %dma_start3A_422 = tpu.memref_slice %arg5[%dma_start3A_404, %dma_start3A_420, %dma_start3A_421] : memref<2x4x200xi32, #tpu.memory_space<vmem>> -> memref<1x4x200xi32, #tpu.memory_space<vmem>>
      %dma_start3A_423 = tpu.memref_squeeze %dma_start3A_422 : memref<1x4x200xi32, #tpu.memory_space<vmem>> -> memref<4x200xi32, #tpu.memory_space<vmem>>
      %dma_start3A_424 = arith.constant 0 : i32
      %dma_start3A_425 = tpu.memref_slice %dma_start3A_423[%dma_start3A_405, %dma_start3A_424] : memref<4x200xi32, #tpu.memory_space<vmem>> -> memref<1x200xi32, #tpu.memory_space<vmem>>
      %dma_start3A_426 = tpu.memref_squeeze %dma_start3A_425 : memref<1x200xi32, #tpu.memory_space<vmem>> -> memref<200xi32, #tpu.memory_space<vmem>>
      %dma_start3A_427 = arith.constant 0 : i32
      %dma_start3A_428 = tpu.memref_slice %dma_start3A_426[%dma_start3A_427] : memref<200xi32, #tpu.memory_space<vmem>> -> memref<96xi32, #tpu.memory_space<vmem>>
      %dma_start3A_429 = arith.constant 0 : i32
      %dma_start3A_430 = arith.constant 0 : i32
      %dma_start3A_431 = tpu.memref_slice %arg3[%dma_start3A_429, %dma_start3A_430] : memref<100000x32xf32, #tpu.memory_space<hbm>> -> memref<100000x32xf32, #tpu.memory_space<hbm>>
      tpu.enqueue_indirect_dma source(%dma_start3A_431 : memref<100000x32xf32, #tpu.memory_space<hbm>>) target(%dma_start3A_419 : memref<96x32xf32, #tpu.memory_space<vmem>>) offsets(%dma_start3A_428 : memref<96xi32, #tpu.memory_space<vmem>>) semaphore(%arg8 : memref<!tpu.dma_semaphore, #tpu.memory_space<semaphore_mem>>)
      %dma_start3A_432 = arith.constant 1 : i32
      %dma_start3A_433 = arith.constant 2 : i32
      %dma_start3A_434 = arith.constant 1 : i32
      %dma_start3A_435 = arith.constant 2 : i32
      %dma_start3A_436 = arith.constant 0 : i32
      %dma_start3A_437 = arith.constant 0 : i32
      %dma_start3A_438 = arith.constant 0 : i32
      %dma_start3A_439 = tpu.memref_slice %arg6[%dma_start3A_434, %dma_start3A_436, %dma_start3A_437, %dma_start3A_438] : memref<2x4x200x32xf32, #tpu.memory_space<vmem>> -> memref<1x4x200x32xf32, #tpu.memory_space<vmem>>
      %dma_start3A_440 = tpu.memref_squeeze %dma_start3A_439 : memref<1x4x200x32xf32, #tpu.memory_space<vmem>> -> memref<4x200x32xf32, #tpu.memory_space<vmem>>
      %dma_start3A_441 = arith.constant 0 : i32
      %dma_start3A_442 = arith.constant 0 : i32
      %dma_start3A_443 = tpu.memref_slice %dma_start3A_440[%dma_start3A_435, %dma_start3A_441, %dma_start3A_442] : memref<4x200x32xf32, #tpu.memory_space<vmem>> -> memref<1x200x32xf32, #tpu.memory_space<vmem>>
      %dma_start3A_444 = tpu.memref_squeeze %dma_start3A_443 : memref<1x200x32xf32, #tpu.memory_space<vmem>> -> memref<200x32xf32, #tpu.memory_space<vmem>>
      %dma_start3A_445 = arith.constant 96 : i32
      %dma_start3A_446 = arith.constant 0 : i32
      %dma_start3A_447 = tpu.memref_slice %dma_start3A_444[%dma_start3A_445, %dma_start3A_446] : memref<200x32xf32, #tpu.memory_space<vmem>> -> memref<104x32xf32, #tpu.memory_space<vmem>>
      %dma_start3A_448 = arith.constant 0 : i32
      %dma_start3A_449 = arith.constant 0 : i32
      %dma_start3A_450 = tpu.memref_slice %arg5[%dma_start3A_432, %dma_start3A_448, %dma_start3A_449] : memref<2x4x200xi32, #tpu.memory_space<vmem>> -> memref<1x4x200xi32, #tpu.memory_space<vmem>>
      %dma_start3A_451 = tpu.memref_squeeze %dma_start3A_450 : memref<1x4x200xi32, #tpu.memory_space<vmem>> -> memref<4x200xi32, #tpu.memory_space<vmem>>
      %dma_start3A_452 = arith.constant 0 : i32
      %dma_start3A_453 = tpu.memref_slice %dma_start3A_451[%dma_start3A_433, %dma_start3A_452] : memref<4x200xi32, #tpu.memory_space<vmem>> -> memref<1x200xi32, #tpu.memory_space<vmem>>
      %dma_start3A_454 = tpu.memref_squeeze %dma_start3A_453 : memref<1x200xi32, #tpu.memory_space<vmem>> -> memref<200xi32, #tpu.memory_space<vmem>>
      %dma_start3A_455 = arith.constant 96 : i32
      %dma_start3A_456 = tpu.memref_slice %dma_start3A_454[%dma_start3A_455] : memref<200xi32, #tpu.memory_space<vmem>> -> memref<104xi32, #tpu.memory_space<vmem>>
      %dma_start3A_457 = arith.constant 0 : i32
      %dma_start3A_458 = arith.constant 0 : i32
      %dma_start3A_459 = tpu.memref_slice %arg3[%dma_start3A_457, %dma_start3A_458] : memref<100000x32xf32, #tpu.memory_space<hbm>> -> memref<100000x32xf32, #tpu.memory_space<hbm>>
      tpu.enqueue_indirect_dma source(%dma_start3A_459 : memref<100000x32xf32, #tpu.memory_space<hbm>>) target(%dma_start3A_447 : memref<104x32xf32, #tpu.memory_space<vmem>>) offsets(%dma_start3A_456 : memref<104xi32, #tpu.memory_space<vmem>>) semaphore(%arg8 : memref<!tpu.dma_semaphore, #tpu.memory_space<semaphore_mem>>)
      %dma_start3A_460 = arith.constant 1 : i32
      %dma_start3A_461 = arith.constant 3 : i32
      %dma_start3A_462 = arith.constant 1 : i32
      %dma_start3A_463 = arith.constant 3 : i32
      %dma_start3A_464 = arith.constant 0 : i32
      %dma_start3A_465 = arith.constant 0 : i32
      %dma_start3A_466 = arith.constant 0 : i32
      %dma_start3A_467 = tpu.memref_slice %arg6[%dma_start3A_462, %dma_start3A_464, %dma_start3A_465, %dma_start3A_466] : memref<2x4x200x32xf32, #tpu.memory_space<vmem>> -> memref<1x4x200x32xf32, #tpu.memory_space<vmem>>
      %dma_start3A_468 = tpu.memref_squeeze %dma_start3A_467 : memref<1x4x200x32xf32, #tpu.memory_space<vmem>> -> memref<4x200x32xf32, #tpu.memory_space<vmem>>
      %dma_start3A_469 = arith.constant 0 : i32
      %dma_start3A_470 = arith.constant 0 : i32
      %dma_start3A_471 = tpu.memref_slice %dma_start3A_468[%dma_start3A_463, %dma_start3A_469, %dma_start3A_470] : memref<4x200x32xf32, #tpu.memory_space<vmem>> -> memref<1x200x32xf32, #tpu.memory_space<vmem>>
      %dma_start3A_472 = tpu.memref_squeeze %dma_start3A_471 : memref<1x200x32xf32, #tpu.memory_space<vmem>> -> memref<200x32xf32, #tpu.memory_space<vmem>>
      %dma_start3A_473 = arith.constant 0 : i32
      %dma_start3A_474 = arith.constant 0 : i32
      %dma_start3A_475 = tpu.memref_slice %dma_start3A_472[%dma_start3A_473, %dma_start3A_474] : memref<200x32xf32, #tpu.memory_space<vmem>> -> memref<96x32xf32, #tpu.memory_space<vmem>>
      %dma_start3A_476 = arith.constant 0 : i32
      %dma_start3A_477 = arith.constant 0 : i32
      %dma_start3A_478 = tpu.memref_slice %arg5[%dma_start3A_460, %dma_start3A_476, %dma_start3A_477] : memref<2x4x200xi32, #tpu.memory_space<vmem>> -> memref<1x4x200xi32, #tpu.memory_space<vmem>>
      %dma_start3A_479 = tpu.memref_squeeze %dma_start3A_478 : memref<1x4x200xi32, #tpu.memory_space<vmem>> -> memref<4x200xi32, #tpu.memory_space<vmem>>
      %dma_start3A_480 = arith.constant 0 : i32
      %dma_start3A_481 = tpu.memref_slice %dma_start3A_479[%dma_start3A_461, %dma_start3A_480] : memref<4x200xi32, #tpu.memory_space<vmem>> -> memref<1x200xi32, #tpu.memory_space<vmem>>
      %dma_start3A_482 = tpu.memref_squeeze %dma_start3A_481 : memref<1x200xi32, #tpu.memory_space<vmem>> -> memref<200xi32, #tpu.memory_space<vmem>>
      %dma_start3A_483 = arith.constant 0 : i32
      %dma_start3A_484 = tpu.memref_slice %dma_start3A_482[%dma_start3A_483] : memref<200xi32, #tpu.memory_space<vmem>> -> memref<96xi32, #tpu.memory_space<vmem>>
      %dma_start3A_485 = arith.constant 0 : i32
      %dma_start3A_486 = arith.constant 0 : i32
      %dma_start3A_487 = tpu.memref_slice %arg3[%dma_start3A_485, %dma_start3A_486] : memref<100000x32xf32, #tpu.memory_space<hbm>> -> memref<100000x32xf32, #tpu.memory_space<hbm>>
      tpu.enqueue_indirect_dma source(%dma_start3A_487 : memref<100000x32xf32, #tpu.memory_space<hbm>>) target(%dma_start3A_475 : memref<96x32xf32, #tpu.memory_space<vmem>>) offsets(%dma_start3A_484 : memref<96xi32, #tpu.memory_space<vmem>>) semaphore(%arg8 : memref<!tpu.dma_semaphore, #tpu.memory_space<semaphore_mem>>)
      %dma_start3A_488 = arith.constant 1 : i32
      %dma_start3A_489 = arith.constant 3 : i32
      %dma_start3A_490 = arith.constant 1 : i32
      %dma_start3A_491 = arith.constant 3 : i32
      %dma_start3A_492 = arith.constant 0 : i32
      %dma_start3A_493 = arith.constant 0 : i32
      %dma_start3A_494 = arith.constant 0 : i32
      %dma_start3A_495 = tpu.memref_slice %arg6[%dma_start3A_490, %dma_start3A_492, %dma_start3A_493, %dma_start3A_494] : memref<2x4x200x32xf32, #tpu.memory_space<vmem>> -> memref<1x4x200x32xf32, #tpu.memory_space<vmem>>
      %dma_start3A_496 = tpu.memref_squeeze %dma_start3A_495 : memref<1x4x200x32xf32, #tpu.memory_space<vmem>> -> memref<4x200x32xf32, #tpu.memory_space<vmem>>
      %dma_start3A_497 = arith.constant 0 : i32
      %dma_start3A_498 = arith.constant 0 : i32
      %dma_start3A_499 = tpu.memref_slice %dma_start3A_496[%dma_start3A_491, %dma_start3A_497, %dma_start3A_498] : memref<4x200x32xf32, #tpu.memory_space<vmem>> -> memref<1x200x32xf32, #tpu.memory_space<vmem>>
      %dma_start3A_500 = tpu.memref_squeeze %dma_start3A_499 : memref<1x200x32xf32, #tpu.memory_space<vmem>> -> memref<200x32xf32, #tpu.memory_space<vmem>>
      %dma_start3A_501 = arith.constant 96 : i32
      %dma_start3A_502 = arith.constant 0 : i32
      %dma_start3A_503 = tpu.memref_slice %dma_start3A_500[%dma_start3A_501, %dma_start3A_502] : memref<200x32xf32, #tpu.memory_space<vmem>> -> memref<104x32xf32, #tpu.memory_space<vmem>>
      %dma_start3A_504 = arith.constant 0 : i32
      %dma_start3A_505 = arith.constant 0 : i32
      %dma_start3A_506 = tpu.memref_slice %arg5[%dma_start3A_488, %dma_start3A_504, %dma_start3A_505] : memref<2x4x200xi32, #tpu.memory_space<vmem>> -> memref<1x4x200xi32, #tpu.memory_space<vmem>>
      %dma_start3A_507 = tpu.memref_squeeze %dma_start3A_506 : memref<1x4x200xi32, #tpu.memory_space<vmem>> -> memref<4x200xi32, #tpu.memory_space<vmem>>
      %dma_start3A_508 = arith.constant 0 : i32
      %dma_start3A_509 = tpu.memref_slice %dma_start3A_507[%dma_start3A_489, %dma_start3A_508] : memref<4x200xi32, #tpu.memory_space<vmem>> -> memref<1x200xi32, #tpu.memory_space<vmem>>
      %dma_start3A_510 = tpu.memref_squeeze %dma_start3A_509 : memref<1x200xi32, #tpu.memory_space<vmem>> -> memref<200xi32, #tpu.memory_space<vmem>>
      %dma_start3A_511 = arith.constant 96 : i32
      %dma_start3A_512 = tpu.memref_slice %dma_start3A_510[%dma_start3A_511] : memref<200xi32, #tpu.memory_space<vmem>> -> memref<104xi32, #tpu.memory_space<vmem>>
      %dma_start3A_513 = arith.constant 0 : i32
      %dma_start3A_514 = arith.constant 0 : i32
      %dma_start3A_515 = tpu.memref_slice %arg3[%dma_start3A_513, %dma_start3A_514] : memref<100000x32xf32, #tpu.memory_space<hbm>> -> memref<100000x32xf32, #tpu.memory_space<hbm>>
      tpu.enqueue_indirect_dma source(%dma_start3A_515 : memref<100000x32xf32, #tpu.memory_space<hbm>>) target(%dma_start3A_503 : memref<104x32xf32, #tpu.memory_space<vmem>>) offsets(%dma_start3A_512 : memref<104xi32, #tpu.memory_space<vmem>>) semaphore(%arg8 : memref<!tpu.dma_semaphore, #tpu.memory_space<semaphore_mem>>)
      %dma_wait3A_516 = arith.constant 0 : i32
      %dma_wait3A_517 = arith.constant 0 : i32
      %dma_wait3A_518 = arith.constant 0 : i32
      %dma_wait3A_519 = arith.constant 0 : i32
      %dma_wait3A_520 = arith.constant 0 : i32
      %dma_wait3A_521 = arith.constant 0 : i32
      %dma_wait3A_522 = arith.constant 0 : i32
      %dma_wait3A_523 = tpu.memref_slice %arg6[%dma_wait3A_518, %dma_wait3A_520, %dma_wait3A_521, %dma_wait3A_522] : memref<2x4x200x32xf32, #tpu.memory_space<vmem>> -> memref<1x4x200x32xf32, #tpu.memory_space<vmem>>
      %dma_wait3A_524 = tpu.memref_squeeze %dma_wait3A_523 : memref<1x4x200x32xf32, #tpu.memory_space<vmem>> -> memref<4x200x32xf32, #tpu.memory_space<vmem>>
      %dma_wait3A_525 = arith.constant 0 : i32
      %dma_wait3A_526 = arith.constant 0 : i32
      %dma_wait3A_527 = tpu.memref_slice %dma_wait3A_524[%dma_wait3A_519, %dma_wait3A_525, %dma_wait3A_526] : memref<4x200x32xf32, #tpu.memory_space<vmem>> -> memref<1x200x32xf32, #tpu.memory_space<vmem>>
      %dma_wait3A_528 = tpu.memref_squeeze %dma_wait3A_527 : memref<1x200x32xf32, #tpu.memory_space<vmem>> -> memref<200x32xf32, #tpu.memory_space<vmem>>
      %dma_wait3A_529 = arith.constant 0 : i32
      %dma_wait3A_530 = arith.constant 0 : i32
      %dma_wait3A_531 = tpu.memref_slice %dma_wait3A_528[%dma_wait3A_529, %dma_wait3A_530] : memref<200x32xf32, #tpu.memory_space<vmem>> -> memref<96x32xf32, #tpu.memory_space<vmem>>
      %dma_wait3A_532 = arith.constant 0 : i32
      %dma_wait3A_533 = arith.constant 0 : i32
      %dma_wait3A_534 = tpu.memref_slice %arg5[%dma_wait3A_516, %dma_wait3A_532, %dma_wait3A_533] : memref<2x4x200xi32, #tpu.memory_space<vmem>> -> memref<1x4x200xi32, #tpu.memory_space<vmem>>
      %dma_wait3A_535 = tpu.memref_squeeze %dma_wait3A_534 : memref<1x4x200xi32, #tpu.memory_space<vmem>> -> memref<4x200xi32, #tpu.memory_space<vmem>>
      %dma_wait3A_536 = arith.constant 0 : i32
      %dma_wait3A_537 = tpu.memref_slice %dma_wait3A_535[%dma_wait3A_517, %dma_wait3A_536] : memref<4x200xi32, #tpu.memory_space<vmem>> -> memref<1x200xi32, #tpu.memory_space<vmem>>
      %dma_wait3A_538 = tpu.memref_squeeze %dma_wait3A_537 : memref<1x200xi32, #tpu.memory_space<vmem>> -> memref<200xi32, #tpu.memory_space<vmem>>
      %dma_wait3A_539 = arith.constant 0 : i32
      %dma_wait3A_540 = tpu.memref_slice %dma_wait3A_538[%dma_wait3A_539] : memref<200xi32, #tpu.memory_space<vmem>> -> memref<96xi32, #tpu.memory_space<vmem>>
      %dma_wait3A_541 = arith.constant 0 : i32
      %dma_wait3A_542 = arith.constant 0 : i32
      %dma_wait3A_543 = tpu.memref_slice %arg3[%dma_wait3A_541, %dma_wait3A_542] : memref<100000x32xf32, #tpu.memory_space<hbm>> -> memref<100000x32xf32, #tpu.memory_space<hbm>>
      tpu.wait_indirect_dma semaphore(%arg7 : memref<!tpu.dma_semaphore, #tpu.memory_space<semaphore_mem>>) src(%dma_wait3A_543 : memref<100000x32xf32, #tpu.memory_space<hbm>>) dst(%dma_wait3A_531 : memref<96x32xf32, #tpu.memory_space<vmem>>)
      %dma_wait3A_544 = arith.constant 0 : i32
      %dma_wait3A_545 = arith.constant 0 : i32
      %dma_wait3A_546 = arith.constant 0 : i32
      %dma_wait3A_547 = arith.constant 0 : i32
      %dma_wait3A_548 = arith.constant 0 : i32
      %dma_wait3A_549 = arith.constant 0 : i32
      %dma_wait3A_550 = arith.constant 0 : i32
      %dma_wait3A_551 = tpu.memref_slice %arg6[%dma_wait3A_546, %dma_wait3A_548, %dma_wait3A_549, %dma_wait3A_550] : memref<2x4x200x32xf32, #tpu.memory_space<vmem>> -> memref<1x4x200x32xf32, #tpu.memory_space<vmem>>
      %dma_wait3A_552 = tpu.memref_squeeze %dma_wait3A_551 : memref<1x4x200x32xf32, #tpu.memory_space<vmem>> -> memref<4x200x32xf32, #tpu.memory_space<vmem>>
      %dma_wait3A_553 = arith.constant 0 : i32
      %dma_wait3A_554 = arith.constant 0 : i32
      %dma_wait3A_555 = tpu.memref_slice %dma_wait3A_552[%dma_wait3A_547, %dma_wait3A_553, %dma_wait3A_554] : memref<4x200x32xf32, #tpu.memory_space<vmem>> -> memref<1x200x32xf32, #tpu.memory_space<vmem>>
      %dma_wait3A_556 = tpu.memref_squeeze %dma_wait3A_555 : memref<1x200x32xf32, #tpu.memory_space<vmem>> -> memref<200x32xf32, #tpu.memory_space<vmem>>
      %dma_wait3A_557 = arith.constant 96 : i32
      %dma_wait3A_558 = arith.constant 0 : i32
      %dma_wait3A_559 = tpu.memref_slice %dma_wait3A_556[%dma_wait3A_557, %dma_wait3A_558] : memref<200x32xf32, #tpu.memory_space<vmem>> -> memref<104x32xf32, #tpu.memory_space<vmem>>
      %dma_wait3A_560 = arith.constant 0 : i32
      %dma_wait3A_561 = arith.constant 0 : i32
      %dma_wait3A_562 = tpu.memref_slice %arg5[%dma_wait3A_544, %dma_wait3A_560, %dma_wait3A_561] : memref<2x4x200xi32, #tpu.memory_space<vmem>> -> memref<1x4x200xi32, #tpu.memory_space<vmem>>
      %dma_wait3A_563 = tpu.memref_squeeze %dma_wait3A_562 : memref<1x4x200xi32, #tpu.memory_space<vmem>> -> memref<4x200xi32, #tpu.memory_space<vmem>>
      %dma_wait3A_564 = arith.constant 0 : i32
      %dma_wait3A_565 = tpu.memref_slice %dma_wait3A_563[%dma_wait3A_545, %dma_wait3A_564] : memref<4x200xi32, #tpu.memory_space<vmem>> -> memref<1x200xi32, #tpu.memory_space<vmem>>
      %dma_wait3A_566 = tpu.memref_squeeze %dma_wait3A_565 : memref<1x200xi32, #tpu.memory_space<vmem>> -> memref<200xi32, #tpu.memory_space<vmem>>
      %dma_wait3A_567 = arith.constant 96 : i32
      %dma_wait3A_568 = tpu.memref_slice %dma_wait3A_566[%dma_wait3A_567] : memref<200xi32, #tpu.memory_space<vmem>> -> memref<104xi32, #tpu.memory_space<vmem>>
      %dma_wait3A_569 = arith.constant 0 : i32
      %dma_wait3A_570 = arith.constant 0 : i32
      %dma_wait3A_571 = tpu.memref_slice %arg3[%dma_wait3A_569, %dma_wait3A_570] : memref<100000x32xf32, #tpu.memory_space<hbm>> -> memref<100000x32xf32, #tpu.memory_space<hbm>>
      tpu.wait_indirect_dma semaphore(%arg7 : memref<!tpu.dma_semaphore, #tpu.memory_space<semaphore_mem>>) src(%dma_wait3A_571 : memref<100000x32xf32, #tpu.memory_space<hbm>>) dst(%dma_wait3A_559 : memref<104x32xf32, #tpu.memory_space<vmem>>)
      %dma_wait3A_572 = arith.constant 0 : i32
      %dma_wait3A_573 = arith.constant 1 : i32
      %dma_wait3A_574 = arith.constant 0 : i32
      %dma_wait3A_575 = arith.constant 1 : i32
      %dma_wait3A_576 = arith.constant 0 : i32
      %dma_wait3A_577 = arith.constant 0 : i32
      %dma_wait3A_578 = arith.constant 0 : i32
      %dma_wait3A_579 = tpu.memref_slice %arg6[%dma_wait3A_574, %dma_wait3A_576, %dma_wait3A_577, %dma_wait3A_578] : memref<2x4x200x32xf32, #tpu.memory_space<vmem>> -> memref<1x4x200x32xf32, #tpu.memory_space<vmem>>
      %dma_wait3A_580 = tpu.memref_squeeze %dma_wait3A_579 : memref<1x4x200x32xf32, #tpu.memory_space<vmem>> -> memref<4x200x32xf32, #tpu.memory_space<vmem>>
      %dma_wait3A_581 = arith.constant 0 : i32
      %dma_wait3A_582 = arith.constant 0 : i32
      %dma_wait3A_583 = tpu.memref_slice %dma_wait3A_580[%dma_wait3A_575, %dma_wait3A_581, %dma_wait3A_582] : memref<4x200x32xf32, #tpu.memory_space<vmem>> -> memref<1x200x32xf32, #tpu.memory_space<vmem>>
      %dma_wait3A_584 = tpu.memref_squeeze %dma_wait3A_583 : memref<1x200x32xf32, #tpu.memory_space<vmem>> -> memref<200x32xf32, #tpu.memory_space<vmem>>
      %dma_wait3A_585 = arith.constant 0 : i32
      %dma_wait3A_586 = arith.constant 0 : i32
      %dma_wait3A_587 = tpu.memref_slice %dma_wait3A_584[%dma_wait3A_585, %dma_wait3A_586] : memref<200x32xf32, #tpu.memory_space<vmem>> -> memref<96x32xf32, #tpu.memory_space<vmem>>
      %dma_wait3A_588 = arith.constant 0 : i32
      %dma_wait3A_589 = arith.constant 0 : i32
      %dma_wait3A_590 = tpu.memref_slice %arg5[%dma_wait3A_572, %dma_wait3A_588, %dma_wait3A_589] : memref<2x4x200xi32, #tpu.memory_space<vmem>> -> memref<1x4x200xi32, #tpu.memory_space<vmem>>
      %dma_wait3A_591 = tpu.memref_squeeze %dma_wait3A_590 : memref<1x4x200xi32, #tpu.memory_space<vmem>> -> memref<4x200xi32, #tpu.memory_space<vmem>>
      %dma_wait3A_592 = arith.constant 0 : i32
      %dma_wait3A_593 = tpu.memref_slice %dma_wait3A_591[%dma_wait3A_573, %dma_wait3A_592] : memref<4x200xi32, #tpu.memory_space<vmem>> -> memref<1x200xi32, #tpu.memory_space<vmem>>
      %dma_wait3A_594 = tpu.memref_squeeze %dma_wait3A_593 : memref<1x200xi32, #tpu.memory_space<vmem>> -> memref<200xi32, #tpu.memory_space<vmem>>
      %dma_wait3A_595 = arith.constant 0 : i32
      %dma_wait3A_596 = tpu.memref_slice %dma_wait3A_594[%dma_wait3A_595] : memref<200xi32, #tpu.memory_space<vmem>> -> memref<96xi32, #tpu.memory_space<vmem>>
      %dma_wait3A_597 = arith.constant 0 : i32
      %dma_wait3A_598 = arith.constant 0 : i32
      %dma_wait3A_599 = tpu.memref_slice %arg3[%dma_wait3A_597, %dma_wait3A_598] : memref<100000x32xf32, #tpu.memory_space<hbm>> -> memref<100000x32xf32, #tpu.memory_space<hbm>>
      tpu.wait_indirect_dma semaphore(%arg7 : memref<!tpu.dma_semaphore, #tpu.memory_space<semaphore_mem>>) src(%dma_wait3A_599 : memref<100000x32xf32, #tpu.memory_space<hbm>>) dst(%dma_wait3A_587 : memref<96x32xf32, #tpu.memory_space<vmem>>)
      %dma_wait3A_600 = arith.constant 0 : i32
      %dma_wait3A_601 = arith.constant 1 : i32
      %dma_wait3A_602 = arith.constant 0 : i32
      %dma_wait3A_603 = arith.constant 1 : i32
      %dma_wait3A_604 = arith.constant 0 : i32
      %dma_wait3A_605 = arith.constant 0 : i32
      %dma_wait3A_606 = arith.constant 0 : i32
      %dma_wait3A_607 = tpu.memref_slice %arg6[%dma_wait3A_602, %dma_wait3A_604, %dma_wait3A_605, %dma_wait3A_606] : memref<2x4x200x32xf32, #tpu.memory_space<vmem>> -> memref<1x4x200x32xf32, #tpu.memory_space<vmem>>
      %dma_wait3A_608 = tpu.memref_squeeze %dma_wait3A_607 : memref<1x4x200x32xf32, #tpu.memory_space<vmem>> -> memref<4x200x32xf32, #tpu.memory_space<vmem>>
      %dma_wait3A_609 = arith.constant 0 : i32
      %dma_wait3A_610 = arith.constant 0 : i32
      %dma_wait3A_611 = tpu.memref_slice %dma_wait3A_608[%dma_wait3A_603, %dma_wait3A_609, %dma_wait3A_610] : memref<4x200x32xf32, #tpu.memory_space<vmem>> -> memref<1x200x32xf32, #tpu.memory_space<vmem>>
      %dma_wait3A_612 = tpu.memref_squeeze %dma_wait3A_611 : memref<1x200x32xf32, #tpu.memory_space<vmem>> -> memref<200x32xf32, #tpu.memory_space<vmem>>
      %dma_wait3A_613 = arith.constant 96 : i32
      %dma_wait3A_614 = arith.constant 0 : i32
      %dma_wait3A_615 = tpu.memref_slice %dma_wait3A_612[%dma_wait3A_613, %dma_wait3A_614] : memref<200x32xf32, #tpu.memory_space<vmem>> -> memref<104x32xf32, #tpu.memory_space<vmem>>
      %dma_wait3A_616 = arith.constant 0 : i32
      %dma_wait3A_617 = arith.constant 0 : i32
      %dma_wait3A_618 = tpu.memref_slice %arg5[%dma_wait3A_600, %dma_wait3A_616, %dma_wait3A_617] : memref<2x4x200xi32, #tpu.memory_space<vmem>> -> memref<1x4x200xi32, #tpu.memory_space<vmem>>
      %dma_wait3A_619 = tpu.memref_squeeze %dma_wait3A_618 : memref<1x4x200xi32, #tpu.memory_space<vmem>> -> memref<4x200xi32, #tpu.memory_space<vmem>>
      %dma_wait3A_620 = arith.constant 0 : i32
      %dma_wait3A_621 = tpu.memref_slice %dma_wait3A_619[%dma_wait3A_601, %dma_wait3A_620] : memref<4x200xi32, #tpu.memory_space<vmem>> -> memref<1x200xi32, #tpu.memory_space<vmem>>
      %dma_wait3A_622 = tpu.memref_squeeze %dma_wait3A_621 : memref<1x200xi32, #tpu.memory_space<vmem>> -> memref<200xi32, #tpu.memory_space<vmem>>
      %dma_wait3A_623 = arith.constant 96 : i32
      %dma_wait3A_624 = tpu.memref_slice %dma_wait3A_622[%dma_wait3A_623] : memref<200xi32, #tpu.memory_space<vmem>> -> memref<104xi32, #tpu.memory_space<vmem>>
      %dma_wait3A_625 = arith.constant 0 : i32
      %dma_wait3A_626 = arith.constant 0 : i32
      %dma_wait3A_627 = tpu.memref_slice %arg3[%dma_wait3A_625, %dma_wait3A_626] : memref<100000x32xf32, #tpu.memory_space<hbm>> -> memref<100000x32xf32, #tpu.memory_space<hbm>>
      tpu.wait_indirect_dma semaphore(%arg7 : memref<!tpu.dma_semaphore, #tpu.memory_space<semaphore_mem>>) src(%dma_wait3A_627 : memref<100000x32xf32, #tpu.memory_space<hbm>>) dst(%dma_wait3A_615 : memref<104x32xf32, #tpu.memory_space<vmem>>)
      %dma_wait3A_628 = arith.constant 0 : i32
      %dma_wait3A_629 = arith.constant 2 : i32
      %dma_wait3A_630 = arith.constant 0 : i32
      %dma_wait3A_631 = arith.constant 2 : i32
      %dma_wait3A_632 = arith.constant 0 : i32
      %dma_wait3A_633 = arith.constant 0 : i32
      %dma_wait3A_634 = arith.constant 0 : i32
      %dma_wait3A_635 = tpu.memref_slice %arg6[%dma_wait3A_630, %dma_wait3A_632, %dma_wait3A_633, %dma_wait3A_634] : memref<2x4x200x32xf32, #tpu.memory_space<vmem>> -> memref<1x4x200x32xf32, #tpu.memory_space<vmem>>
      %dma_wait3A_636 = tpu.memref_squeeze %dma_wait3A_635 : memref<1x4x200x32xf32, #tpu.memory_space<vmem>> -> memref<4x200x32xf32, #tpu.memory_space<vmem>>
      %dma_wait3A_637 = arith.constant 0 : i32
      %dma_wait3A_638 = arith.constant 0 : i32
      %dma_wait3A_639 = tpu.memref_slice %dma_wait3A_636[%dma_wait3A_631, %dma_wait3A_637, %dma_wait3A_638] : memref<4x200x32xf32, #tpu.memory_space<vmem>> -> memref<1x200x32xf32, #tpu.memory_space<vmem>>
      %dma_wait3A_640 = tpu.memref_squeeze %dma_wait3A_639 : memref<1x200x32xf32, #tpu.memory_space<vmem>> -> memref<200x32xf32, #tpu.memory_space<vmem>>
      %dma_wait3A_641 = arith.constant 0 : i32
      %dma_wait3A_642 = arith.constant 0 : i32
      %dma_wait3A_643 = tpu.memref_slice %dma_wait3A_640[%dma_wait3A_641, %dma_wait3A_642] : memref<200x32xf32, #tpu.memory_space<vmem>> -> memref<96x32xf32, #tpu.memory_space<vmem>>
      %dma_wait3A_644 = arith.constant 0 : i32
      %dma_wait3A_645 = arith.constant 0 : i32
      %dma_wait3A_646 = tpu.memref_slice %arg5[%dma_wait3A_628, %dma_wait3A_644, %dma_wait3A_645] : memref<2x4x200xi32, #tpu.memory_space<vmem>> -> memref<1x4x200xi32, #tpu.memory_space<vmem>>
      %dma_wait3A_647 = tpu.memref_squeeze %dma_wait3A_646 : memref<1x4x200xi32, #tpu.memory_space<vmem>> -> memref<4x200xi32, #tpu.memory_space<vmem>>
      %dma_wait3A_648 = arith.constant 0 : i32
      %dma_wait3A_649 = tpu.memref_slice %dma_wait3A_647[%dma_wait3A_629, %dma_wait3A_648] : memref<4x200xi32, #tpu.memory_space<vmem>> -> memref<1x200xi32, #tpu.memory_space<vmem>>
      %dma_wait3A_650 = tpu.memref_squeeze %dma_wait3A_649 : memref<1x200xi32, #tpu.memory_space<vmem>> -> memref<200xi32, #tpu.memory_space<vmem>>
      %dma_wait3A_651 = arith.constant 0 : i32
      %dma_wait3A_652 = tpu.memref_slice %dma_wait3A_650[%dma_wait3A_651] : memref<200xi32, #tpu.memory_space<vmem>> -> memref<96xi32, #tpu.memory_space<vmem>>
      %dma_wait3A_653 = arith.constant 0 : i32
      %dma_wait3A_654 = arith.constant 0 : i32
      %dma_wait3A_655 = tpu.memref_slice %arg3[%dma_wait3A_653, %dma_wait3A_654] : memref<100000x32xf32, #tpu.memory_space<hbm>> -> memref<100000x32xf32, #tpu.memory_space<hbm>>
      tpu.wait_indirect_dma semaphore(%arg7 : memref<!tpu.dma_semaphore, #tpu.memory_space<semaphore_mem>>) src(%dma_wait3A_655 : memref<100000x32xf32, #tpu.memory_space<hbm>>) dst(%dma_wait3A_643 : memref<96x32xf32, #tpu.memory_space<vmem>>)
      %dma_wait3A_656 = arith.constant 0 : i32
      %dma_wait3A_657 = arith.constant 2 : i32
      %dma_wait3A_658 = arith.constant 0 : i32
      %dma_wait3A_659 = arith.constant 2 : i32
      %dma_wait3A_660 = arith.constant 0 : i32
      %dma_wait3A_661 = arith.constant 0 : i32
      %dma_wait3A_662 = arith.constant 0 : i32
      %dma_wait3A_663 = tpu.memref_slice %arg6[%dma_wait3A_658, %dma_wait3A_660, %dma_wait3A_661, %dma_wait3A_662] : memref<2x4x200x32xf32, #tpu.memory_space<vmem>> -> memref<1x4x200x32xf32, #tpu.memory_space<vmem>>
      %dma_wait3A_664 = tpu.memref_squeeze %dma_wait3A_663 : memref<1x4x200x32xf32, #tpu.memory_space<vmem>> -> memref<4x200x32xf32, #tpu.memory_space<vmem>>
      %dma_wait3A_665 = arith.constant 0 : i32
      %dma_wait3A_666 = arith.constant 0 : i32
      %dma_wait3A_667 = tpu.memref_slice %dma_wait3A_664[%dma_wait3A_659, %dma_wait3A_665, %dma_wait3A_666] : memref<4x200x32xf32, #tpu.memory_space<vmem>> -> memref<1x200x32xf32, #tpu.memory_space<vmem>>
      %dma_wait3A_668 = tpu.memref_squeeze %dma_wait3A_667 : memref<1x200x32xf32, #tpu.memory_space<vmem>> -> memref<200x32xf32, #tpu.memory_space<vmem>>
      %dma_wait3A_669 = arith.constant 96 : i32
      %dma_wait3A_670 = arith.constant 0 : i32
      %dma_wait3A_671 = tpu.memref_slice %dma_wait3A_668[%dma_wait3A_669, %dma_wait3A_670] : memref<200x32xf32, #tpu.memory_space<vmem>> -> memref<104x32xf32, #tpu.memory_space<vmem>>
      %dma_wait3A_672 = arith.constant 0 : i32
      %dma_wait3A_673 = arith.constant 0 : i32
      %dma_wait3A_674 = tpu.memref_slice %arg5[%dma_wait3A_656, %dma_wait3A_672, %dma_wait3A_673] : memref<2x4x200xi32, #tpu.memory_space<vmem>> -> memref<1x4x200xi32, #tpu.memory_space<vmem>>
      %dma_wait3A_675 = tpu.memref_squeeze %dma_wait3A_674 : memref<1x4x200xi32, #tpu.memory_space<vmem>> -> memref<4x200xi32, #tpu.memory_space<vmem>>
      %dma_wait3A_676 = arith.constant 0 : i32
      %dma_wait3A_677 = tpu.memref_slice %dma_wait3A_675[%dma_wait3A_657, %dma_wait3A_676] : memref<4x200xi32, #tpu.memory_space<vmem>> -> memref<1x200xi32, #tpu.memory_space<vmem>>
      %dma_wait3A_678 = tpu.memref_squeeze %dma_wait3A_677 : memref<1x200xi32, #tpu.memory_space<vmem>> -> memref<200xi32, #tpu.memory_space<vmem>>
      %dma_wait3A_679 = arith.constant 96 : i32
      %dma_wait3A_680 = tpu.memref_slice %dma_wait3A_678[%dma_wait3A_679] : memref<200xi32, #tpu.memory_space<vmem>> -> memref<104xi32, #tpu.memory_space<vmem>>
      %dma_wait3A_681 = arith.constant 0 : i32
      %dma_wait3A_682 = arith.constant 0 : i32
      %dma_wait3A_683 = tpu.memref_slice %arg3[%dma_wait3A_681, %dma_wait3A_682] : memref<100000x32xf32, #tpu.memory_space<hbm>> -> memref<100000x32xf32, #tpu.memory_space<hbm>>
      tpu.wait_indirect_dma semaphore(%arg7 : memref<!tpu.dma_semaphore, #tpu.memory_space<semaphore_mem>>) src(%dma_wait3A_683 : memref<100000x32xf32, #tpu.memory_space<hbm>>) dst(%dma_wait3A_671 : memref<104x32xf32, #tpu.memory_space<vmem>>)
      %dma_wait3A_684 = arith.constant 0 : i32
      %dma_wait3A_685 = arith.constant 3 : i32
      %dma_wait3A_686 = arith.constant 0 : i32
      %dma_wait3A_687 = arith.constant 3 : i32
      %dma_wait3A_688 = arith.constant 0 : i32
      %dma_wait3A_689 = arith.constant 0 : i32
      %dma_wait3A_690 = arith.constant 0 : i32
      %dma_wait3A_691 = tpu.memref_slice %arg6[%dma_wait3A_686, %dma_wait3A_688, %dma_wait3A_689, %dma_wait3A_690] : memref<2x4x200x32xf32, #tpu.memory_space<vmem>> -> memref<1x4x200x32xf32, #tpu.memory_space<vmem>>
      %dma_wait3A_692 = tpu.memref_squeeze %dma_wait3A_691 : memref<1x4x200x32xf32, #tpu.memory_space<vmem>> -> memref<4x200x32xf32, #tpu.memory_space<vmem>>
      %dma_wait3A_693 = arith.constant 0 : i32
      %dma_wait3A_694 = arith.constant 0 : i32
      %dma_wait3A_695 = tpu.memref_slice %dma_wait3A_692[%dma_wait3A_687, %dma_wait3A_693, %dma_wait3A_694] : memref<4x200x32xf32, #tpu.memory_space<vmem>> -> memref<1x200x32xf32, #tpu.memory_space<vmem>>
      %dma_wait3A_696 = tpu.memref_squeeze %dma_wait3A_695 : memref<1x200x32xf32, #tpu.memory_space<vmem>> -> memref<200x32xf32, #tpu.memory_space<vmem>>
      %dma_wait3A_697 = arith.constant 0 : i32
      %dma_wait3A_698 = arith.constant 0 : i32
      %dma_wait3A_699 = tpu.memref_slice %dma_wait3A_696[%dma_wait3A_697, %dma_wait3A_698] : memref<200x32xf32, #tpu.memory_space<vmem>> -> memref<96x32xf32, #tpu.memory_space<vmem>>
      %dma_wait3A_700 = arith.constant 0 : i32
      %dma_wait3A_701 = arith.constant 0 : i32
      %dma_wait3A_702 = tpu.memref_slice %arg5[%dma_wait3A_684, %dma_wait3A_700, %dma_wait3A_701] : memref<2x4x200xi32, #tpu.memory_space<vmem>> -> memref<1x4x200xi32, #tpu.memory_space<vmem>>
      %dma_wait3A_703 = tpu.memref_squeeze %dma_wait3A_702 : memref<1x4x200xi32, #tpu.memory_space<vmem>> -> memref<4x200xi32, #tpu.memory_space<vmem>>
      %dma_wait3A_704 = arith.constant 0 : i32
      %dma_wait3A_705 = tpu.memref_slice %dma_wait3A_703[%dma_wait3A_685, %dma_wait3A_704] : memref<4x200xi32, #tpu.memory_space<vmem>> -> memref<1x200xi32, #tpu.memory_space<vmem>>
      %dma_wait3A_706 = tpu.memref_squeeze %dma_wait3A_705 : memref<1x200xi32, #tpu.memory_space<vmem>> -> memref<200xi32, #tpu.memory_space<vmem>>
      %dma_wait3A_707 = arith.constant 0 : i32
      %dma_wait3A_708 = tpu.memref_slice %dma_wait3A_706[%dma_wait3A_707] : memref<200xi32, #tpu.memory_space<vmem>> -> memref<96xi32, #tpu.memory_space<vmem>>
      %dma_wait3A_709 = arith.constant 0 : i32
      %dma_wait3A_710 = arith.constant 0 : i32
      %dma_wait3A_711 = tpu.memref_slice %arg3[%dma_wait3A_709, %dma_wait3A_710] : memref<100000x32xf32, #tpu.memory_space<hbm>> -> memref<100000x32xf32, #tpu.memory_space<hbm>>
      tpu.wait_indirect_dma semaphore(%arg7 : memref<!tpu.dma_semaphore, #tpu.memory_space<semaphore_mem>>) src(%dma_wait3A_711 : memref<100000x32xf32, #tpu.memory_space<hbm>>) dst(%dma_wait3A_699 : memref<96x32xf32, #tpu.memory_space<vmem>>)
      %dma_wait3A_712 = arith.constant 0 : i32
      %dma_wait3A_713 = arith.constant 3 : i32
      %dma_wait3A_714 = arith.constant 0 : i32
      %dma_wait3A_715 = arith.constant 3 : i32
      %dma_wait3A_716 = arith.constant 0 : i32
      %dma_wait3A_717 = arith.constant 0 : i32
      %dma_wait3A_718 = arith.constant 0 : i32
      %dma_wait3A_719 = tpu.memref_slice %arg6[%dma_wait3A_714, %dma_wait3A_716, %dma_wait3A_717, %dma_wait3A_718] : memref<2x4x200x32xf32, #tpu.memory_space<vmem>> -> memref<1x4x200x32xf32, #tpu.memory_space<vmem>>
      %dma_wait3A_720 = tpu.memref_squeeze %dma_wait3A_719 : memref<1x4x200x32xf32, #tpu.memory_space<vmem>> -> memref<4x200x32xf32, #tpu.memory_space<vmem>>
      %dma_wait3A_721 = arith.constant 0 : i32
      %dma_wait3A_722 = arith.constant 0 : i32
      %dma_wait3A_723 = tpu.memref_slice %dma_wait3A_720[%dma_wait3A_715, %dma_wait3A_721, %dma_wait3A_722] : memref<4x200x32xf32, #tpu.memory_space<vmem>> -> memref<1x200x32xf32, #tpu.memory_space<vmem>>
      %dma_wait3A_724 = tpu.memref_squeeze %dma_wait3A_723 : memref<1x200x32xf32, #tpu.memory_space<vmem>> -> memref<200x32xf32, #tpu.memory_space<vmem>>
      %dma_wait3A_725 = arith.constant 96 : i32
      %dma_wait3A_726 = arith.constant 0 : i32
      %dma_wait3A_727 = tpu.memref_slice %dma_wait3A_724[%dma_wait3A_725, %dma_wait3A_726] : memref<200x32xf32, #tpu.memory_space<vmem>> -> memref<104x32xf32, #tpu.memory_space<vmem>>
      %dma_wait3A_728 = arith.constant 0 : i32
      %dma_wait3A_729 = arith.constant 0 : i32
      %dma_wait3A_730 = tpu.memref_slice %arg5[%dma_wait3A_712, %dma_wait3A_728, %dma_wait3A_729] : memref<2x4x200xi32, #tpu.memory_space<vmem>> -> memref<1x4x200xi32, #tpu.memory_space<vmem>>
      %dma_wait3A_731 = tpu.memref_squeeze %dma_wait3A_730 : memref<1x4x200xi32, #tpu.memory_space<vmem>> -> memref<4x200xi32, #tpu.memory_space<vmem>>
      %dma_wait3A_732 = arith.constant 0 : i32
      %dma_wait3A_733 = tpu.memref_slice %dma_wait3A_731[%dma_wait3A_713, %dma_wait3A_732] : memref<4x200xi32, #tpu.memory_space<vmem>> -> memref<1x200xi32, #tpu.memory_space<vmem>>
      %dma_wait3A_734 = tpu.memref_squeeze %dma_wait3A_733 : memref<1x200xi32, #tpu.memory_space<vmem>> -> memref<200xi32, #tpu.memory_space<vmem>>
      %dma_wait3A_735 = arith.constant 96 : i32
      %dma_wait3A_736 = tpu.memref_slice %dma_wait3A_734[%dma_wait3A_735] : memref<200xi32, #tpu.memory_space<vmem>> -> memref<104xi32, #tpu.memory_space<vmem>>
      %dma_wait3A_737 = arith.constant 0 : i32
      %dma_wait3A_738 = arith.constant 0 : i32
      %dma_wait3A_739 = tpu.memref_slice %arg3[%dma_wait3A_737, %dma_wait3A_738] : memref<100000x32xf32, #tpu.memory_space<hbm>> -> memref<100000x32xf32, #tpu.memory_space<hbm>>
      tpu.wait_indirect_dma semaphore(%arg7 : memref<!tpu.dma_semaphore, #tpu.memory_space<semaphore_mem>>) src(%dma_wait3A_739 : memref<100000x32xf32, #tpu.memory_space<hbm>>) dst(%dma_wait3A_727 : memref<104x32xf32, #tpu.memory_space<vmem>>)
      %add3A_740 = arith.constant 0 : i32
      %add3A_741 = arith.addi %mul3A_48, %add3A_740 : i32
      %mul3A_742 = arith.constant 4 : i32
      %mul3A_743 = arith.muli %add3A_741, %mul3A_742 : i32
      %add3A_744 = arith.addi %mul3A_2, %mul3A_743 : i32
      %multiple_of3A_745 = tpu.assume_multiple %add3A_744, 4 : i32
      %dma_start3A_746 = arith.constant 0 : i32
      %dma_start3A_747 = arith.constant 0 : i32
      %dma_start3A_748 = arith.constant 0 : i32
      %dma_start3A_749 = arith.constant 0 : i32
      %dma_start3A_750 = tpu.memref_slice %arg6[%dma_start3A_746, %dma_start3A_747, %dma_start3A_748, %dma_start3A_749] : memref<2x4x200x32xf32, #tpu.memory_space<vmem>> -> memref<1x4x200x32xf32, #tpu.memory_space<vmem>>
      %dma_start3A_751 = tpu.memref_squeeze %dma_start3A_750 : memref<1x4x200x32xf32, #tpu.memory_space<vmem>> -> memref<4x200x32xf32, #tpu.memory_space<vmem>>
      %dma_start3A_752 = arith.constant 0 : i32
      %dma_start3A_753 = arith.constant 0 : i32
      %dma_start3A_754 = tpu.memref_slice %arg4[%multiple_of3A_745, %dma_start3A_752, %dma_start3A_753] : memref<16384x200x32xf32, #tpu.memory_space<hbm>> -> memref<4x200x32xf32, #tpu.memory_space<hbm>>
      %dma_start3A_755 = arith.constant 0 : i32
      %dma_start3A_756 = arith.constant 0 : i32
      %dma_start3A_757 = tpu.memref_slice %arg4[%multiple_of3A_745, %dma_start3A_755, %dma_start3A_756] : memref<16384x200x32xf32, #tpu.memory_space<hbm>> -> memref<4x200x32xf32, #tpu.memory_space<hbm>>
      %dma_start3A_758 = arith.constant 0 : i32
      %dma_start3A_759 = arith.constant 0 : i32
      %dma_start3A_760 = arith.constant 0 : i32
      %dma_start3A_761 = tpu.memref_slice %arg6[%dma_start3A_746, %dma_start3A_758, %dma_start3A_759, %dma_start3A_760] : memref<2x4x200x32xf32, #tpu.memory_space<vmem>> -> memref<1x4x200x32xf32, #tpu.memory_space<vmem>>
      %dma_start3A_762 = tpu.memref_squeeze %dma_start3A_761 : memref<1x4x200x32xf32, #tpu.memory_space<vmem>> -> memref<4x200x32xf32, #tpu.memory_space<vmem>>
      tpu.enqueue_dma source(%dma_start3A_762 : memref<4x200x32xf32, #tpu.memory_space<vmem>>) target(%dma_start3A_757 : memref<4x200x32xf32, #tpu.memory_space<hbm>>) target_semaphore(%arg9 : memref<!tpu.dma_semaphore, #tpu.memory_space<semaphore_mem>>)
      %dma_wait3A_763 = arith.constant 1 : i32
      %dma_wait3A_764 = arith.constant 0 : i32
      %dma_wait3A_765 = arith.constant 1 : i32
      %dma_wait3A_766 = arith.constant 0 : i32
      %dma_wait3A_767 = arith.constant 0 : i32
      %dma_wait3A_768 = arith.constant 0 : i32
      %dma_wait3A_769 = arith.constant 0 : i32
      %dma_wait3A_770 = tpu.memref_slice %arg6[%dma_wait3A_765, %dma_wait3A_767, %dma_wait3A_768, %dma_wait3A_769] : memref<2x4x200x32xf32, #tpu.memory_space<vmem>> -> memref<1x4x200x32xf32, #tpu.memory_space<vmem>>
      %dma_wait3A_771 = tpu.memref_squeeze %dma_wait3A_770 : memref<1x4x200x32xf32, #tpu.memory_space<vmem>> -> memref<4x200x32xf32, #tpu.memory_space<vmem>>
      %dma_wait3A_772 = arith.constant 0 : i32
      %dma_wait3A_773 = arith.constant 0 : i32
      %dma_wait3A_774 = tpu.memref_slice %dma_wait3A_771[%dma_wait3A_766, %dma_wait3A_772, %dma_wait3A_773] : memref<4x200x32xf32, #tpu.memory_space<vmem>> -> memref<1x200x32xf32, #tpu.memory_space<vmem>>
      %dma_wait3A_775 = tpu.memref_squeeze %dma_wait3A_774 : memref<1x200x32xf32, #tpu.memory_space<vmem>> -> memref<200x32xf32, #tpu.memory_space<vmem>>
      %dma_wait3A_776 = arith.constant 0 : i32
      %dma_wait3A_777 = arith.constant 0 : i32
      %dma_wait3A_778 = tpu.memref_slice %dma_wait3A_775[%dma_wait3A_776, %dma_wait3A_777] : memref<200x32xf32, #tpu.memory_space<vmem>> -> memref<96x32xf32, #tpu.memory_space<vmem>>
      %dma_wait3A_779 = arith.constant 0 : i32
      %dma_wait3A_780 = arith.constant 0 : i32
      %dma_wait3A_781 = tpu.memref_slice %arg5[%dma_wait3A_763, %dma_wait3A_779, %dma_wait3A_780] : memref<2x4x200xi32, #tpu.memory_space<vmem>> -> memref<1x4x200xi32, #tpu.memory_space<vmem>>
      %dma_wait3A_782 = tpu.memref_squeeze %dma_wait3A_781 : memref<1x4x200xi32, #tpu.memory_space<vmem>> -> memref<4x200xi32, #tpu.memory_space<vmem>>
      %dma_wait3A_783 = arith.constant 0 : i32
      %dma_wait3A_784 = tpu.memref_slice %dma_wait3A_782[%dma_wait3A_764, %dma_wait3A_783] : memref<4x200xi32, #tpu.memory_space<vmem>> -> memref<1x200xi32, #tpu.memory_space<vmem>>
      %dma_wait3A_785 = tpu.memref_squeeze %dma_wait3A_784 : memref<1x200xi32, #tpu.memory_space<vmem>> -> memref<200xi32, #tpu.memory_space<vmem>>
      %dma_wait3A_786 = arith.constant 0 : i32
      %dma_wait3A_787 = tpu.memref_slice %dma_wait3A_785[%dma_wait3A_786] : memref<200xi32, #tpu.memory_space<vmem>> -> memref<96xi32, #tpu.memory_space<vmem>>
      %dma_wait3A_788 = arith.constant 0 : i32
      %dma_wait3A_789 = arith.constant 0 : i32
      %dma_wait3A_790 = tpu.memref_slice %arg3[%dma_wait3A_788, %dma_wait3A_789] : memref<100000x32xf32, #tpu.memory_space<hbm>> -> memref<100000x32xf32, #tpu.memory_space<hbm>>
      tpu.wait_indirect_dma semaphore(%arg8 : memref<!tpu.dma_semaphore, #tpu.memory_space<semaphore_mem>>) src(%dma_wait3A_790 : memref<100000x32xf32, #tpu.memory_space<hbm>>) dst(%dma_wait3A_778 : memref<96x32xf32, #tpu.memory_space<vmem>>)
      %dma_wait3A_791 = arith.constant 1 : i32
      %dma_wait3A_792 = arith.constant 0 : i32
      %dma_wait3A_793 = arith.constant 1 : i32
      %dma_wait3A_794 = arith.constant 0 : i32
      %dma_wait3A_795 = arith.constant 0 : i32
      %dma_wait3A_796 = arith.constant 0 : i32
      %dma_wait3A_797 = arith.constant 0 : i32
      %dma_wait3A_798 = tpu.memref_slice %arg6[%dma_wait3A_793, %dma_wait3A_795, %dma_wait3A_796, %dma_wait3A_797] : memref<2x4x200x32xf32, #tpu.memory_space<vmem>> -> memref<1x4x200x32xf32, #tpu.memory_space<vmem>>
      %dma_wait3A_799 = tpu.memref_squeeze %dma_wait3A_798 : memref<1x4x200x32xf32, #tpu.memory_space<vmem>> -> memref<4x200x32xf32, #tpu.memory_space<vmem>>
      %dma_wait3A_800 = arith.constant 0 : i32
      %dma_wait3A_801 = arith.constant 0 : i32
      %dma_wait3A_802 = tpu.memref_slice %dma_wait3A_799[%dma_wait3A_794, %dma_wait3A_800, %dma_wait3A_801] : memref<4x200x32xf32, #tpu.memory_space<vmem>> -> memref<1x200x32xf32, #tpu.memory_space<vmem>>
      %dma_wait3A_803 = tpu.memref_squeeze %dma_wait3A_802 : memref<1x200x32xf32, #tpu.memory_space<vmem>> -> memref<200x32xf32, #tpu.memory_space<vmem>>
      %dma_wait3A_804 = arith.constant 96 : i32
      %dma_wait3A_805 = arith.constant 0 : i32
      %dma_wait3A_806 = tpu.memref_slice %dma_wait3A_803[%dma_wait3A_804, %dma_wait3A_805] : memref<200x32xf32, #tpu.memory_space<vmem>> -> memref<104x32xf32, #tpu.memory_space<vmem>>
      %dma_wait3A_807 = arith.constant 0 : i32
      %dma_wait3A_808 = arith.constant 0 : i32
      %dma_wait3A_809 = tpu.memref_slice %arg5[%dma_wait3A_791, %dma_wait3A_807, %dma_wait3A_808] : memref<2x4x200xi32, #tpu.memory_space<vmem>> -> memref<1x4x200xi32, #tpu.memory_space<vmem>>
      %dma_wait3A_810 = tpu.memref_squeeze %dma_wait3A_809 : memref<1x4x200xi32, #tpu.memory_space<vmem>> -> memref<4x200xi32, #tpu.memory_space<vmem>>
      %dma_wait3A_811 = arith.constant 0 : i32
      %dma_wait3A_812 = tpu.memref_slice %dma_wait3A_810[%dma_wait3A_792, %dma_wait3A_811] : memref<4x200xi32, #tpu.memory_space<vmem>> -> memref<1x200xi32, #tpu.memory_space<vmem>>
      %dma_wait3A_813 = tpu.memref_squeeze %dma_wait3A_812 : memref<1x200xi32, #tpu.memory_space<vmem>> -> memref<200xi32, #tpu.memory_space<vmem>>
      %dma_wait3A_814 = arith.constant 96 : i32
      %dma_wait3A_815 = tpu.memref_slice %dma_wait3A_813[%dma_wait3A_814] : memref<200xi32, #tpu.memory_space<vmem>> -> memref<104xi32, #tpu.memory_space<vmem>>
      %dma_wait3A_816 = arith.constant 0 : i32
      %dma_wait3A_817 = arith.constant 0 : i32
      %dma_wait3A_818 = tpu.memref_slice %arg3[%dma_wait3A_816, %dma_wait3A_817] : memref<100000x32xf32, #tpu.memory_space<hbm>> -> memref<100000x32xf32, #tpu.memory_space<hbm>>
      tpu.wait_indirect_dma semaphore(%arg8 : memref<!tpu.dma_semaphore, #tpu.memory_space<semaphore_mem>>) src(%dma_wait3A_818 : memref<100000x32xf32, #tpu.memory_space<hbm>>) dst(%dma_wait3A_806 : memref<104x32xf32, #tpu.memory_space<vmem>>)
      %dma_wait3A_819 = arith.constant 1 : i32
      %dma_wait3A_820 = arith.constant 1 : i32
      %dma_wait3A_821 = arith.constant 1 : i32
      %dma_wait3A_822 = arith.constant 1 : i32
      %dma_wait3A_823 = arith.constant 0 : i32
      %dma_wait3A_824 = arith.constant 0 : i32
      %dma_wait3A_825 = arith.constant 0 : i32
      %dma_wait3A_826 = tpu.memref_slice %arg6[%dma_wait3A_821, %dma_wait3A_823, %dma_wait3A_824, %dma_wait3A_825] : memref<2x4x200x32xf32, #tpu.memory_space<vmem>> -> memref<1x4x200x32xf32, #tpu.memory_space<vmem>>
      %dma_wait3A_827 = tpu.memref_squeeze %dma_wait3A_826 : memref<1x4x200x32xf32, #tpu.memory_space<vmem>> -> memref<4x200x32xf32, #tpu.memory_space<vmem>>
      %dma_wait3A_828 = arith.constant 0 : i32
      %dma_wait3A_829 = arith.constant 0 : i32
      %dma_wait3A_830 = tpu.memref_slice %dma_wait3A_827[%dma_wait3A_822, %dma_wait3A_828, %dma_wait3A_829] : memref<4x200x32xf32, #tpu.memory_space<vmem>> -> memref<1x200x32xf32, #tpu.memory_space<vmem>>
      %dma_wait3A_831 = tpu.memref_squeeze %dma_wait3A_830 : memref<1x200x32xf32, #tpu.memory_space<vmem>> -> memref<200x32xf32, #tpu.memory_space<vmem>>
      %dma_wait3A_832 = arith.constant 0 : i32
      %dma_wait3A_833 = arith.constant 0 : i32
      %dma_wait3A_834 = tpu.memref_slice %dma_wait3A_831[%dma_wait3A_832, %dma_wait3A_833] : memref<200x32xf32, #tpu.memory_space<vmem>> -> memref<96x32xf32, #tpu.memory_space<vmem>>
      %dma_wait3A_835 = arith.constant 0 : i32
      %dma_wait3A_836 = arith.constant 0 : i32
      %dma_wait3A_837 = tpu.memref_slice %arg5[%dma_wait3A_819, %dma_wait3A_835, %dma_wait3A_836] : memref<2x4x200xi32, #tpu.memory_space<vmem>> -> memref<1x4x200xi32, #tpu.memory_space<vmem>>
      %dma_wait3A_838 = tpu.memref_squeeze %dma_wait3A_837 : memref<1x4x200xi32, #tpu.memory_space<vmem>> -> memref<4x200xi32, #tpu.memory_space<vmem>>
      %dma_wait3A_839 = arith.constant 0 : i32
      %dma_wait3A_840 = tpu.memref_slice %dma_wait3A_838[%dma_wait3A_820, %dma_wait3A_839] : memref<4x200xi32, #tpu.memory_space<vmem>> -> memref<1x200xi32, #tpu.memory_space<vmem>>
      %dma_wait3A_841 = tpu.memref_squeeze %dma_wait3A_840 : memref<1x200xi32, #tpu.memory_space<vmem>> -> memref<200xi32, #tpu.memory_space<vmem>>
      %dma_wait3A_842 = arith.constant 0 : i32
      %dma_wait3A_843 = tpu.memref_slice %dma_wait3A_841[%dma_wait3A_842] : memref<200xi32, #tpu.memory_space<vmem>> -> memref<96xi32, #tpu.memory_space<vmem>>
      %dma_wait3A_844 = arith.constant 0 : i32
      %dma_wait3A_845 = arith.constant 0 : i32
      %dma_wait3A_846 = tpu.memref_slice %arg3[%dma_wait3A_844, %dma_wait3A_845] : memref<100000x32xf32, #tpu.memory_space<hbm>> -> memref<100000x32xf32, #tpu.memory_space<hbm>>
      tpu.wait_indirect_dma semaphore(%arg8 : memref<!tpu.dma_semaphore, #tpu.memory_space<semaphore_mem>>) src(%dma_wait3A_846 : memref<100000x32xf32, #tpu.memory_space<hbm>>) dst(%dma_wait3A_834 : memref<96x32xf32, #tpu.memory_space<vmem>>)
      %dma_wait3A_847 = arith.constant 1 : i32
      %dma_wait3A_848 = arith.constant 1 : i32
      %dma_wait3A_849 = arith.constant 1 : i32
      %dma_wait3A_850 = arith.constant 1 : i32
      %dma_wait3A_851 = arith.constant 0 : i32
      %dma_wait3A_852 = arith.constant 0 : i32
      %dma_wait3A_853 = arith.constant 0 : i32
      %dma_wait3A_854 = tpu.memref_slice %arg6[%dma_wait3A_849, %dma_wait3A_851, %dma_wait3A_852, %dma_wait3A_853] : memref<2x4x200x32xf32, #tpu.memory_space<vmem>> -> memref<1x4x200x32xf32, #tpu.memory_space<vmem>>
      %dma_wait3A_855 = tpu.memref_squeeze %dma_wait3A_854 : memref<1x4x200x32xf32, #tpu.memory_space<vmem>> -> memref<4x200x32xf32, #tpu.memory_space<vmem>>
      %dma_wait3A_856 = arith.constant 0 : i32
      %dma_wait3A_857 = arith.constant 0 : i32
      %dma_wait3A_858 = tpu.memref_slice %dma_wait3A_855[%dma_wait3A_850, %dma_wait3A_856, %dma_wait3A_857] : memref<4x200x32xf32, #tpu.memory_space<vmem>> -> memref<1x200x32xf32, #tpu.memory_space<vmem>>
      %dma_wait3A_859 = tpu.memref_squeeze %dma_wait3A_858 : memref<1x200x32xf32, #tpu.memory_space<vmem>> -> memref<200x32xf32, #tpu.memory_space<vmem>>
      %dma_wait3A_860 = arith.constant 96 : i32
      %dma_wait3A_861 = arith.constant 0 : i32
      %dma_wait3A_862 = tpu.memref_slice %dma_wait3A_859[%dma_wait3A_860, %dma_wait3A_861] : memref<200x32xf32, #tpu.memory_space<vmem>> -> memref<104x32xf32, #tpu.memory_space<vmem>>
      %dma_wait3A_863 = arith.constant 0 : i32
      %dma_wait3A_864 = arith.constant 0 : i32
      %dma_wait3A_865 = tpu.memref_slice %arg5[%dma_wait3A_847, %dma_wait3A_863, %dma_wait3A_864] : memref<2x4x200xi32, #tpu.memory_space<vmem>> -> memref<1x4x200xi32, #tpu.memory_space<vmem>>
      %dma_wait3A_866 = tpu.memref_squeeze %dma_wait3A_865 : memref<1x4x200xi32, #tpu.memory_space<vmem>> -> memref<4x200xi32, #tpu.memory_space<vmem>>
      %dma_wait3A_867 = arith.constant 0 : i32
      %dma_wait3A_868 = tpu.memref_slice %dma_wait3A_866[%dma_wait3A_848, %dma_wait3A_867] : memref<4x200xi32, #tpu.memory_space<vmem>> -> memref<1x200xi32, #tpu.memory_space<vmem>>
      %dma_wait3A_869 = tpu.memref_squeeze %dma_wait3A_868 : memref<1x200xi32, #tpu.memory_space<vmem>> -> memref<200xi32, #tpu.memory_space<vmem>>
      %dma_wait3A_870 = arith.constant 96 : i32
      %dma_wait3A_871 = tpu.memref_slice %dma_wait3A_869[%dma_wait3A_870] : memref<200xi32, #tpu.memory_space<vmem>> -> memref<104xi32, #tpu.memory_space<vmem>>
      %dma_wait3A_872 = arith.constant 0 : i32
      %dma_wait3A_873 = arith.constant 0 : i32
      %dma_wait3A_874 = tpu.memref_slice %arg3[%dma_wait3A_872, %dma_wait3A_873] : memref<100000x32xf32, #tpu.memory_space<hbm>> -> memref<100000x32xf32, #tpu.memory_space<hbm>>
      tpu.wait_indirect_dma semaphore(%arg8 : memref<!tpu.dma_semaphore, #tpu.memory_space<semaphore_mem>>) src(%dma_wait3A_874 : memref<100000x32xf32, #tpu.memory_space<hbm>>) dst(%dma_wait3A_862 : memref<104x32xf32, #tpu.memory_space<vmem>>)
      %dma_wait3A_875 = arith.constant 1 : i32
      %dma_wait3A_876 = arith.constant 2 : i32
      %dma_wait3A_877 = arith.constant 1 : i32
      %dma_wait3A_878 = arith.constant 2 : i32
      %dma_wait3A_879 = arith.constant 0 : i32
      %dma_wait3A_880 = arith.constant 0 : i32
      %dma_wait3A_881 = arith.constant 0 : i32
      %dma_wait3A_882 = tpu.memref_slice %arg6[%dma_wait3A_877, %dma_wait3A_879, %dma_wait3A_880, %dma_wait3A_881] : memref<2x4x200x32xf32, #tpu.memory_space<vmem>> -> memref<1x4x200x32xf32, #tpu.memory_space<vmem>>
      %dma_wait3A_883 = tpu.memref_squeeze %dma_wait3A_882 : memref<1x4x200x32xf32, #tpu.memory_space<vmem>> -> memref<4x200x32xf32, #tpu.memory_space<vmem>>
      %dma_wait3A_884 = arith.constant 0 : i32
      %dma_wait3A_885 = arith.constant 0 : i32
      %dma_wait3A_886 = tpu.memref_slice %dma_wait3A_883[%dma_wait3A_878, %dma_wait3A_884, %dma_wait3A_885] : memref<4x200x32xf32, #tpu.memory_space<vmem>> -> memref<1x200x32xf32, #tpu.memory_space<vmem>>
      %dma_wait3A_887 = tpu.memref_squeeze %dma_wait3A_886 : memref<1x200x32xf32, #tpu.memory_space<vmem>> -> memref<200x32xf32, #tpu.memory_space<vmem>>
      %dma_wait3A_888 = arith.constant 0 : i32
      %dma_wait3A_889 = arith.constant 0 : i32
      %dma_wait3A_890 = tpu.memref_slice %dma_wait3A_887[%dma_wait3A_888, %dma_wait3A_889] : memref<200x32xf32, #tpu.memory_space<vmem>> -> memref<96x32xf32, #tpu.memory_space<vmem>>
      %dma_wait3A_891 = arith.constant 0 : i32
      %dma_wait3A_892 = arith.constant 0 : i32
      %dma_wait3A_893 = tpu.memref_slice %arg5[%dma_wait3A_875, %dma_wait3A_891, %dma_wait3A_892] : memref<2x4x200xi32, #tpu.memory_space<vmem>> -> memref<1x4x200xi32, #tpu.memory_space<vmem>>
      %dma_wait3A_894 = tpu.memref_squeeze %dma_wait3A_893 : memref<1x4x200xi32, #tpu.memory_space<vmem>> -> memref<4x200xi32, #tpu.memory_space<vmem>>
      %dma_wait3A_895 = arith.constant 0 : i32
      %dma_wait3A_896 = tpu.memref_slice %dma_wait3A_894[%dma_wait3A_876, %dma_wait3A_895] : memref<4x200xi32, #tpu.memory_space<vmem>> -> memref<1x200xi32, #tpu.memory_space<vmem>>
      %dma_wait3A_897 = tpu.memref_squeeze %dma_wait3A_896 : memref<1x200xi32, #tpu.memory_space<vmem>> -> memref<200xi32, #tpu.memory_space<vmem>>
      %dma_wait3A_898 = arith.constant 0 : i32
      %dma_wait3A_899 = tpu.memref_slice %dma_wait3A_897[%dma_wait3A_898] : memref<200xi32, #tpu.memory_space<vmem>> -> memref<96xi32, #tpu.memory_space<vmem>>
      %dma_wait3A_900 = arith.constant 0 : i32
      %dma_wait3A_901 = arith.constant 0 : i32
      %dma_wait3A_902 = tpu.memref_slice %arg3[%dma_wait3A_900, %dma_wait3A_901] : memref<100000x32xf32, #tpu.memory_space<hbm>> -> memref<100000x32xf32, #tpu.memory_space<hbm>>
      tpu.wait_indirect_dma semaphore(%arg8 : memref<!tpu.dma_semaphore, #tpu.memory_space<semaphore_mem>>) src(%dma_wait3A_902 : memref<100000x32xf32, #tpu.memory_space<hbm>>) dst(%dma_wait3A_890 : memref<96x32xf32, #tpu.memory_space<vmem>>)
      %dma_wait3A_903 = arith.constant 1 : i32
      %dma_wait3A_904 = arith.constant 2 : i32
      %dma_wait3A_905 = arith.constant 1 : i32
      %dma_wait3A_906 = arith.constant 2 : i32
      %dma_wait3A_907 = arith.constant 0 : i32
      %dma_wait3A_908 = arith.constant 0 : i32
      %dma_wait3A_909 = arith.constant 0 : i32
      %dma_wait3A_910 = tpu.memref_slice %arg6[%dma_wait3A_905, %dma_wait3A_907, %dma_wait3A_908, %dma_wait3A_909] : memref<2x4x200x32xf32, #tpu.memory_space<vmem>> -> memref<1x4x200x32xf32, #tpu.memory_space<vmem>>
      %dma_wait3A_911 = tpu.memref_squeeze %dma_wait3A_910 : memref<1x4x200x32xf32, #tpu.memory_space<vmem>> -> memref<4x200x32xf32, #tpu.memory_space<vmem>>
      %dma_wait3A_912 = arith.constant 0 : i32
      %dma_wait3A_913 = arith.constant 0 : i32
      %dma_wait3A_914 = tpu.memref_slice %dma_wait3A_911[%dma_wait3A_906, %dma_wait3A_912, %dma_wait3A_913] : memref<4x200x32xf32, #tpu.memory_space<vmem>> -> memref<1x200x32xf32, #tpu.memory_space<vmem>>
      %dma_wait3A_915 = tpu.memref_squeeze %dma_wait3A_914 : memref<1x200x32xf32, #tpu.memory_space<vmem>> -> memref<200x32xf32, #tpu.memory_space<vmem>>
      %dma_wait3A_916 = arith.constant 96 : i32
      %dma_wait3A_917 = arith.constant 0 : i32
      %dma_wait3A_918 = tpu.memref_slice %dma_wait3A_915[%dma_wait3A_916, %dma_wait3A_917] : memref<200x32xf32, #tpu.memory_space<vmem>> -> memref<104x32xf32, #tpu.memory_space<vmem>>
      %dma_wait3A_919 = arith.constant 0 : i32
      %dma_wait3A_920 = arith.constant 0 : i32
      %dma_wait3A_921 = tpu.memref_slice %arg5[%dma_wait3A_903, %dma_wait3A_919, %dma_wait3A_920] : memref<2x4x200xi32, #tpu.memory_space<vmem>> -> memref<1x4x200xi32, #tpu.memory_space<vmem>>
      %dma_wait3A_922 = tpu.memref_squeeze %dma_wait3A_921 : memref<1x4x200xi32, #tpu.memory_space<vmem>> -> memref<4x200xi32, #tpu.memory_space<vmem>>
      %dma_wait3A_923 = arith.constant 0 : i32
      %dma_wait3A_924 = tpu.memref_slice %dma_wait3A_922[%dma_wait3A_904, %dma_wait3A_923] : memref<4x200xi32, #tpu.memory_space<vmem>> -> memref<1x200xi32, #tpu.memory_space<vmem>>
      %dma_wait3A_925 = tpu.memref_squeeze %dma_wait3A_924 : memref<1x200xi32, #tpu.memory_space<vmem>> -> memref<200xi32, #tpu.memory_space<vmem>>
      %dma_wait3A_926 = arith.constant 96 : i32
      %dma_wait3A_927 = tpu.memref_slice %dma_wait3A_925[%dma_wait3A_926] : memref<200xi32, #tpu.memory_space<vmem>> -> memref<104xi32, #tpu.memory_space<vmem>>
      %dma_wait3A_928 = arith.constant 0 : i32
      %dma_wait3A_929 = arith.constant 0 : i32
      %dma_wait3A_930 = tpu.memref_slice %arg3[%dma_wait3A_928, %dma_wait3A_929] : memref<100000x32xf32, #tpu.memory_space<hbm>> -> memref<100000x32xf32, #tpu.memory_space<hbm>>
      tpu.wait_indirect_dma semaphore(%arg8 : memref<!tpu.dma_semaphore, #tpu.memory_space<semaphore_mem>>) src(%dma_wait3A_930 : memref<100000x32xf32, #tpu.memory_space<hbm>>) dst(%dma_wait3A_918 : memref<104x32xf32, #tpu.memory_space<vmem>>)
      %dma_wait3A_931 = arith.constant 1 : i32
      %dma_wait3A_932 = arith.constant 3 : i32
      %dma_wait3A_933 = arith.constant 1 : i32
      %dma_wait3A_934 = arith.constant 3 : i32
      %dma_wait3A_935 = arith.constant 0 : i32
      %dma_wait3A_936 = arith.constant 0 : i32
      %dma_wait3A_937 = arith.constant 0 : i32
      %dma_wait3A_938 = tpu.memref_slice %arg6[%dma_wait3A_933, %dma_wait3A_935, %dma_wait3A_936, %dma_wait3A_937] : memref<2x4x200x32xf32, #tpu.memory_space<vmem>> -> memref<1x4x200x32xf32, #tpu.memory_space<vmem>>
      %dma_wait3A_939 = tpu.memref_squeeze %dma_wait3A_938 : memref<1x4x200x32xf32, #tpu.memory_space<vmem>> -> memref<4x200x32xf32, #tpu.memory_space<vmem>>
      %dma_wait3A_940 = arith.constant 0 : i32
      %dma_wait3A_941 = arith.constant 0 : i32
      %dma_wait3A_942 = tpu.memref_slice %dma_wait3A_939[%dma_wait3A_934, %dma_wait3A_940, %dma_wait3A_941] : memref<4x200x32xf32, #tpu.memory_space<vmem>> -> memref<1x200x32xf32, #tpu.memory_space<vmem>>
      %dma_wait3A_943 = tpu.memref_squeeze %dma_wait3A_942 : memref<1x200x32xf32, #tpu.memory_space<vmem>> -> memref<200x32xf32, #tpu.memory_space<vmem>>
      %dma_wait3A_944 = arith.constant 0 : i32
      %dma_wait3A_945 = arith.constant 0 : i32
      %dma_wait3A_946 = tpu.memref_slice %dma_wait3A_943[%dma_wait3A_944, %dma_wait3A_945] : memref<200x32xf32, #tpu.memory_space<vmem>> -> memref<96x32xf32, #tpu.memory_space<vmem>>
      %dma_wait3A_947 = arith.constant 0 : i32
      %dma_wait3A_948 = arith.constant 0 : i32
      %dma_wait3A_949 = tpu.memref_slice %arg5[%dma_wait3A_931, %dma_wait3A_947, %dma_wait3A_948] : memref<2x4x200xi32, #tpu.memory_space<vmem>> -> memref<1x4x200xi32, #tpu.memory_space<vmem>>
      %dma_wait3A_950 = tpu.memref_squeeze %dma_wait3A_949 : memref<1x4x200xi32, #tpu.memory_space<vmem>> -> memref<4x200xi32, #tpu.memory_space<vmem>>
      %dma_wait3A_951 = arith.constant 0 : i32
      %dma_wait3A_952 = tpu.memref_slice %dma_wait3A_950[%dma_wait3A_932, %dma_wait3A_951] : memref<4x200xi32, #tpu.memory_space<vmem>> -> memref<1x200xi32, #tpu.memory_space<vmem>>
      %dma_wait3A_953 = tpu.memref_squeeze %dma_wait3A_952 : memref<1x200xi32, #tpu.memory_space<vmem>> -> memref<200xi32, #tpu.memory_space<vmem>>
      %dma_wait3A_954 = arith.constant 0 : i32
      %dma_wait3A_955 = tpu.memref_slice %dma_wait3A_953[%dma_wait3A_954] : memref<200xi32, #tpu.memory_space<vmem>> -> memref<96xi32, #tpu.memory_space<vmem>>
      %dma_wait3A_956 = arith.constant 0 : i32
      %dma_wait3A_957 = arith.constant 0 : i32
      %dma_wait3A_958 = tpu.memref_slice %arg3[%dma_wait3A_956, %dma_wait3A_957] : memref<100000x32xf32, #tpu.memory_space<hbm>> -> memref<100000x32xf32, #tpu.memory_space<hbm>>
      tpu.wait_indirect_dma semaphore(%arg8 : memref<!tpu.dma_semaphore, #tpu.memory_space<semaphore_mem>>) src(%dma_wait3A_958 : memref<100000x32xf32, #tpu.memory_space<hbm>>) dst(%dma_wait3A_946 : memref<96x32xf32, #tpu.memory_space<vmem>>)
      %dma_wait3A_959 = arith.constant 1 : i32
      %dma_wait3A_960 = arith.constant 3 : i32
      %dma_wait3A_961 = arith.constant 1 : i32
      %dma_wait3A_962 = arith.constant 3 : i32
      %dma_wait3A_963 = arith.constant 0 : i32
      %dma_wait3A_964 = arith.constant 0 : i32
      %dma_wait3A_965 = arith.constant 0 : i32
      %dma_wait3A_966 = tpu.memref_slice %arg6[%dma_wait3A_961, %dma_wait3A_963, %dma_wait3A_964, %dma_wait3A_965] : memref<2x4x200x32xf32, #tpu.memory_space<vmem>> -> memref<1x4x200x32xf32, #tpu.memory_space<vmem>>
      %dma_wait3A_967 = tpu.memref_squeeze %dma_wait3A_966 : memref<1x4x200x32xf32, #tpu.memory_space<vmem>> -> memref<4x200x32xf32, #tpu.memory_space<vmem>>
      %dma_wait3A_968 = arith.constant 0 : i32
      %dma_wait3A_969 = arith.constant 0 : i32
      %dma_wait3A_970 = tpu.memref_slice %dma_wait3A_967[%dma_wait3A_962, %dma_wait3A_968, %dma_wait3A_969] : memref<4x200x32xf32, #tpu.memory_space<vmem>> -> memref<1x200x32xf32, #tpu.memory_space<vmem>>
      %dma_wait3A_971 = tpu.memref_squeeze %dma_wait3A_970 : memref<1x200x32xf32, #tpu.memory_space<vmem>> -> memref<200x32xf32, #tpu.memory_space<vmem>>
      %dma_wait3A_972 = arith.constant 96 : i32
      %dma_wait3A_973 = arith.constant 0 : i32
      %dma_wait3A_974 = tpu.memref_slice %dma_wait3A_971[%dma_wait3A_972, %dma_wait3A_973] : memref<200x32xf32, #tpu.memory_space<vmem>> -> memref<104x32xf32, #tpu.memory_space<vmem>>
      %dma_wait3A_975 = arith.constant 0 : i32
      %dma_wait3A_976 = arith.constant 0 : i32
      %dma_wait3A_977 = tpu.memref_slice %arg5[%dma_wait3A_959, %dma_wait3A_975, %dma_wait3A_976] : memref<2x4x200xi32, #tpu.memory_space<vmem>> -> memref<1x4x200xi32, #tpu.memory_space<vmem>>
      %dma_wait3A_978 = tpu.memref_squeeze %dma_wait3A_977 : memref<1x4x200xi32, #tpu.memory_space<vmem>> -> memref<4x200xi32, #tpu.memory_space<vmem>>
      %dma_wait3A_979 = arith.constant 0 : i32
      %dma_wait3A_980 = tpu.memref_slice %dma_wait3A_978[%dma_wait3A_960, %dma_wait3A_979] : memref<4x200xi32, #tpu.memory_space<vmem>> -> memref<1x200xi32, #tpu.memory_space<vmem>>
      %dma_wait3A_981 = tpu.memref_squeeze %dma_wait3A_980 : memref<1x200xi32, #tpu.memory_space<vmem>> -> memref<200xi32, #tpu.memory_space<vmem>>
      %dma_wait3A_982 = arith.constant 96 : i32
      %dma_wait3A_983 = tpu.memref_slice %dma_wait3A_981[%dma_wait3A_982] : memref<200xi32, #tpu.memory_space<vmem>> -> memref<104xi32, #tpu.memory_space<vmem>>
      %dma_wait3A_984 = arith.constant 0 : i32
      %dma_wait3A_985 = arith.constant 0 : i32
      %dma_wait3A_986 = tpu.memref_slice %arg3[%dma_wait3A_984, %dma_wait3A_985] : memref<100000x32xf32, #tpu.memory_space<hbm>> -> memref<100000x32xf32, #tpu.memory_space<hbm>>
      tpu.wait_indirect_dma semaphore(%arg8 : memref<!tpu.dma_semaphore, #tpu.memory_space<semaphore_mem>>) src(%dma_wait3A_986 : memref<100000x32xf32, #tpu.memory_space<hbm>>) dst(%dma_wait3A_974 : memref<104x32xf32, #tpu.memory_space<vmem>>)
      %add3A_987 = arith.constant 1 : i32
      %add3A_988 = arith.addi %mul3A_48, %add3A_987 : i32
      %mul3A_989 = arith.constant 4 : i32
      %mul3A_990 = arith.muli %add3A_988, %mul3A_989 : i32
      %add3A_991 = arith.addi %mul3A_2, %mul3A_990 : i32
      %multiple_of3A_992 = tpu.assume_multiple %add3A_991, 4 : i32
      %dma_start3A_993 = arith.constant 1 : i32
      %dma_start3A_994 = arith.constant 0 : i32
      %dma_start3A_995 = arith.constant 0 : i32
      %dma_start3A_996 = arith.constant 0 : i32
      %dma_start3A_997 = tpu.memref_slice %arg6[%dma_start3A_993, %dma_start3A_994, %dma_start3A_995, %dma_start3A_996] : memref<2x4x200x32xf32, #tpu.memory_space<vmem>> -> memref<1x4x200x32xf32, #tpu.memory_space<vmem>>
      %dma_start3A_998 = tpu.memref_squeeze %dma_start3A_997 : memref<1x4x200x32xf32, #tpu.memory_space<vmem>> -> memref<4x200x32xf32, #tpu.memory_space<vmem>>
      %dma_start3A_999 = arith.constant 0 : i32
      %dma_start3A_1000 = arith.constant 0 : i32
      %dma_start3A_1001 = tpu.memref_slice %arg4[%multiple_of3A_992, %dma_start3A_999, %dma_start3A_1000] : memref<16384x200x32xf32, #tpu.memory_space<hbm>> -> memref<4x200x32xf32, #tpu.memory_space<hbm>>
      %dma_start3A_1002 = arith.constant 0 : i32
      %dma_start3A_1003 = arith.constant 0 : i32
      %dma_start3A_1004 = tpu.memref_slice %arg4[%multiple_of3A_992, %dma_start3A_1002, %dma_start3A_1003] : memref<16384x200x32xf32, #tpu.memory_space<hbm>> -> memref<4x200x32xf32, #tpu.memory_space<hbm>>
      %dma_start3A_1005 = arith.constant 0 : i32
      %dma_start3A_1006 = arith.constant 0 : i32
      %dma_start3A_1007 = arith.constant 0 : i32
      %dma_start3A_1008 = tpu.memref_slice %arg6[%dma_start3A_993, %dma_start3A_1005, %dma_start3A_1006, %dma_start3A_1007] : memref<2x4x200x32xf32, #tpu.memory_space<vmem>> -> memref<1x4x200x32xf32, #tpu.memory_space<vmem>>
      %dma_start3A_1009 = tpu.memref_squeeze %dma_start3A_1008 : memref<1x4x200x32xf32, #tpu.memory_space<vmem>> -> memref<4x200x32xf32, #tpu.memory_space<vmem>>
      tpu.enqueue_dma source(%dma_start3A_1009 : memref<4x200x32xf32, #tpu.memory_space<vmem>>) target(%dma_start3A_1004 : memref<4x200x32xf32, #tpu.memory_space<hbm>>) target_semaphore(%arg10 : memref<!tpu.dma_semaphore, #tpu.memory_space<semaphore_mem>>)
    }
    %scan3A_7 = arith.constant 64 : i32
    %add3A_8 = arith.constant 504 : i32
    %add3A_9 = arith.addi %mul3A_2, %add3A_8 : i32
    %multiple_of3A = tpu.assume_multiple %add3A_9, 4 : i32
    %dma_wait3A = arith.constant 0 : i32
    %dma_wait3A_10 = arith.constant 0 : i32
    %dma_wait3A_11 = arith.constant 0 : i32
    %dma_wait3A_12 = arith.constant 0 : i32
    %dma_wait3A_13 = tpu.memref_slice %arg6[%dma_wait3A, %dma_wait3A_10, %dma_wait3A_11, %dma_wait3A_12] : memref<2x4x200x32xf32, #tpu.memory_space<vmem>> -> memref<1x4x200x32xf32, #tpu.memory_space<vmem>>
    %dma_wait3A_14 = tpu.memref_squeeze %dma_wait3A_13 : memref<1x4x200x32xf32, #tpu.memory_space<vmem>> -> memref<4x200x32xf32, #tpu.memory_space<vmem>>
    %dma_wait3A_15 = arith.constant 0 : i32
    %dma_wait3A_16 = arith.constant 0 : i32
    %dma_wait3A_17 = tpu.memref_slice %arg4[%multiple_of3A, %dma_wait3A_15, %dma_wait3A_16] : memref<16384x200x32xf32, #tpu.memory_space<hbm>> -> memref<4x200x32xf32, #tpu.memory_space<hbm>>
    %dma_wait3A_18 = arith.constant 0 : i32
    %dma_wait3A_19 = arith.constant 0 : i32
    %dma_wait3A_20 = tpu.memref_slice %arg4[%multiple_of3A, %dma_wait3A_18, %dma_wait3A_19] : memref<16384x200x32xf32, #tpu.memory_space<hbm>> -> memref<4x200x32xf32, #tpu.memory_space<hbm>>
    %dma_wait3A_21 = arith.constant 0 : i32
    %dma_wait3A_22 = arith.constant 0 : i32
    %dma_wait3A_23 = arith.constant 0 : i32
    %dma_wait3A_24 = tpu.memref_slice %arg6[%dma_wait3A, %dma_wait3A_21, %dma_wait3A_22, %dma_wait3A_23] : memref<2x4x200x32xf32, #tpu.memory_space<vmem>> -> memref<1x4x200x32xf32, #tpu.memory_space<vmem>>
    %dma_wait3A_25 = tpu.memref_squeeze %dma_wait3A_24 : memref<1x4x200x32xf32, #tpu.memory_space<vmem>> -> memref<4x200x32xf32, #tpu.memory_space<vmem>>
    tpu.wait_dma2 semaphore(%arg9 : memref<!tpu.dma_semaphore, #tpu.memory_space<semaphore_mem>>) src(%dma_wait3A_25 : memref<4x200x32xf32, #tpu.memory_space<vmem>>) dst(%dma_wait3A_20 : memref<4x200x32xf32, #tpu.memory_space<hbm>>)
    %add3A_26 = arith.constant 508 : i32
    %add3A_27 = arith.addi %mul3A_2, %add3A_26 : i32
    %multiple_of3A_28 = tpu.assume_multiple %add3A_27, 4 : i32
    %dma_wait3A_29 = arith.constant 1 : i32
    %dma_wait3A_30 = arith.constant 0 : i32
    %dma_wait3A_31 = arith.constant 0 : i32
    %dma_wait3A_32 = arith.constant 0 : i32
    %dma_wait3A_33 = tpu.memref_slice %arg6[%dma_wait3A_29, %dma_wait3A_30, %dma_wait3A_31, %dma_wait3A_32] : memref<2x4x200x32xf32, #tpu.memory_space<vmem>> -> memref<1x4x200x32xf32, #tpu.memory_space<vmem>>
    %dma_wait3A_34 = tpu.memref_squeeze %dma_wait3A_33 : memref<1x4x200x32xf32, #tpu.memory_space<vmem>> -> memref<4x200x32xf32, #tpu.memory_space<vmem>>
    %dma_wait3A_35 = arith.constant 0 : i32
    %dma_wait3A_36 = arith.constant 0 : i32
    %dma_wait3A_37 = tpu.memref_slice %arg4[%multiple_of3A_28, %dma_wait3A_35, %dma_wait3A_36] : memref<16384x200x32xf32, #tpu.memory_space<hbm>> -> memref<4x200x32xf32, #tpu.memory_space<hbm>>
    %dma_wait3A_38 = arith.constant 0 : i32
    %dma_wait3A_39 = arith.constant 0 : i32
    %dma_wait3A_40 = tpu.memref_slice %arg4[%multiple_of3A_28, %dma_wait3A_38, %dma_wait3A_39] : memref<16384x200x32xf32, #tpu.memory_space<hbm>> -> memref<4x200x32xf32, #tpu.memory_space<hbm>>
    %dma_wait3A_41 = arith.constant 0 : i32
    %dma_wait3A_42 = arith.constant 0 : i32
    %dma_wait3A_43 = arith.constant 0 : i32
    %dma_wait3A_44 = tpu.memref_slice %arg6[%dma_wait3A_29, %dma_wait3A_41, %dma_wait3A_42, %dma_wait3A_43] : memref<2x4x200x32xf32, #tpu.memory_space<vmem>> -> memref<1x4x200x32xf32, #tpu.memory_space<vmem>>
    %dma_wait3A_45 = tpu.memref_squeeze %dma_wait3A_44 : memref<1x4x200x32xf32, #tpu.memory_space<vmem>> -> memref<4x200x32xf32, #tpu.memory_space<vmem>>
    tpu.wait_dma2 semaphore(%arg10 : memref<!tpu.dma_semaphore, #tpu.memory_space<semaphore_mem>>) src(%dma_wait3A_45 : memref<4x200x32xf32, #tpu.memory_space<vmem>>) dst(%dma_wait3A_40 : memref<4x200x32xf32, #tpu.memory_space<hbm>>)
    return
  }
}

</mosaic_0001>

<sc_bundles>
// kernel: _run.3.cloned.1.call-start
scs
__scs_entry_jumppad:
0x0: {  	(pc) =	sbr.rel $0x88, $3  }
0x1: {  	(tag) =	ssettag $0x0;
	lr =	simm.s32 $0x1  }
0x2: {  	[smem:$0x3F9F] =	sst lr;
	_ =	strace $0xD0000000  }
0x3: {  	_ = 	snop  }
0x4: {  	_ = 	snop  }
0x5: {  	_ = 	snop  }
0x6: {  	_ = 	snop  }
0x7: {  	_ = 	snop  }
__scs_overlays_trampoline_lowered:
0x8: {  	[smem:$0x3FAE] =	sst s0  }
0x9: {  	[smem:$0x3FAF] =	sst s1  }
0xa: {  	[smem:$0x3FB0] =	sst s2  }
0xb: {  	[smem:$0x3FB1] =	sst s3  }
0xc: {  	[smem:$0x3FB2] =	sst s4  }
0xd: {  	[smem:$0x3FB3] =	sst s5  }
0xe: {  	[smem:$0x3FB4] =	sst s6  }
0xf: {  	[smem:$0x3FB5] =	sst s7  }
0x10: {  	[smem:$0x3FB6] =	sst s8  }
0x11: {  	[smem:$0x3FB7] =	sst s9;
	s0 =	simm.s32 @!p0 $0x0  }
0x12: {  	s1 =	sld [smem:$0x3F9D];
	s0 =	simm.s32 @p0 $0x1  }
0x13: {  	[smem:$0x3FB8] =	sst s0;
	s0 =	simm.s32 @!p1 $0x0  }
0x14: {  	s2 =	sld [smem:$0x3F9C];
	s0 =	simm.s32 @p1 $0x1  }
0x15: {  	[smem:$0x3FB9] =	sst s0;
	s0 =	simm.s32 @!p2 $0x0  }
0x16: {  	s3 =	sld [smem:$0x3FDB];
	s0 =	simm.s32 @p2 $0x1  }
0x17: {  	s4 =	simm.s32 $0x1BF5;
	[smem:$0x3FBB] =	sst s0  }
0x18: {  	s0 =	sld [smem:$0x3F9E];
	_ =	swait.ge [sflag:s4], $0x0  }
0x19: {  	s7 =	sld [smem:$0x3F9F]  }
0x1a: {  	s8 =	sadd.s32 $0xFFFFE003, lr  }
0x1b: {  	s9 =	sadd.s32 $0xFFFFFEF7, lr;
	s5 =	simm.s32 $0xFFFFFFFF;
	p2 =	slt.u32 s8, $0xFFFFF086  }
0x1c: {  	p1 =	slt.u32 s9, $0xF7A;
	s5 =	simm.s32 @!p2 $0x0  }
0x1d: {  	s5 =	simm.s32 @p1 $0x1;
	p0 =	seq.s32 s7, s2  }
0x1e: {  	s7 =	smul.u32 @!p0 $0xF7A, s2;
	p2 =	seq.s32 @!p0 s5, $0x0  }
0x1f: {  	s9 =	smul.u32 $0xF7A, s1;
	s8 =	simm.s32 @!p0 $0x1BF5;
	p2 =	por !p2, p0  }
0x20: {  	[sflag:s8] =	ssyncset.s32 @!p0 $0xFFFFF086;
	s6 =	sadd.s32 @!p0 s3, s7;
	s7 =	simm.s32 @!p0 $0x108  }
0x21: {  	s3 =	sadd.s32 s3, s9;
	s6 =	sadd.s32 @!p0 $0x88, s6;
	s7 =	simm.s32 @p2 $0x1082  }
0x22: {  	[simem:s7], [sflag:s8] =	dma.local @!p0 [hbm:s6], $0xF7A  }
0x23: {  	s9 =	sor.u32 $0xD0000000, s2;
	s6 =	simm.s32 $0x108;
	_ =	swait.ge @!p0 [sflag:s8], $0x0  }
0x24: {  	s3 =	sadd.s32 $0x88, s3;
	s6 =	simm.s32 @!p1 $0x1082;
	[sflag:s4] =	ssyncset.s32 $0xFFFFF086  }
0x25: {  	[simem:s6], [sflag:s4] =	dma.local [hbm:s3], $0xF7A  }
0x26: {  	[smem:$0x3F9F] =	sst s1;
	(tag) =	ssettag s2;
	_ =	strace s9  }
0x27: {  	s1 =	sld [smem:$0x3FAF]  }
0x28: {  	s2 =	sld [smem:$0x3FB0]  }
0x29: {  	s4 =	sld [smem:$0x3FB2]  }
0x2a: {  	p0 =	seq.s32 s5, $0x0;
	s5 =	sld [smem:$0x3FB3]  }
0x2b: {  	s6 =	sld [smem:$0x3FB4]  }
0x2c: {  	s7 =	sld [smem:$0x3FB5]  }
0x2d: {  	s3 =	simm.s32 $0x108;
	s8 =	sld [smem:$0x3FB6]  }
0x2e: {  	s3 =	simm.s32 @!p0 $0x1082;
	s9 =	sld [smem:$0x3FB7]  }
0x2f: {  	lr =	sadd.s32 s0, s3;
	s0 =	sld [smem:$0x3FAE]  }
0x30: {  	s3 =	sld [smem:$0x3FB1]  }
0x31: {  	[smem:$0x3FBA] =	sst s10  }
0x32: {  	s10 =	sld [smem:$0x3FB8];
	_ =	sdelay $0x3  }
0x33: {  	p0 =	seq.s32 s10, $0x1;
	s10 =	sld [smem:$0x3FBA];
	_ =	sdelay $0x3  }
0x34: {  	[smem:$0x3FBA] =	sst s10  }
0x35: {  	s10 =	sld [smem:$0x3FB9];
	_ =	sdelay $0x3  }
0x36: {  	p1 =	seq.s32 s10, $0x1;
	s10 =	sld [smem:$0x3FBA];
	_ =	sdelay $0x3  }
0x37: {  	[smem:$0x3FBA] =	sst s10  }
0x38: {  	s10 =	sld [smem:$0x3FBB]  }
0x39: {  	_ = 	snop;
	(pc) =	sbr.ind lr, $3  }
0x3a: {  	_ = 	snop  }
0x3b: {  	_ = 	snop  }
0x3c: {  	p2 =	seq.s32 s10, $0x1;
	s10 =	sld [smem:$0x3FBA]  }
0x3d: {  	_ =	shalt  }
0x3e: {  	_ =	shalt  }
0x3f: {  	_ =	shalt  }
0x40: {  	_ =	shalt  }
0x41: {  	_ =	shalt  }
0x42: {  	_ =	shalt  }
0x43: {  	_ =	shalt  }
0x44: {  	_ =	shalt  }
0x45: {  	_ =	shalt  }
0x46: {  	_ =	shalt  }
0x47: {  	_ =	shalt  }
0x48: {  	_ =	shalt  }
0x49: {  	_ =	shalt  }
0x4a: {  	_ =	shalt  }
0x4b: {  	_ =	shalt  }
0x4c: {  	_ =	shalt  }
0x4d: {  	_ =	shalt  }
0x4e: {  	_ =	shalt  }
0x4f: {  	_ =	shalt  }
0x50: {  	_ =	shalt  }
0x51: {  	_ =	shalt  }
0x52: {  	_ =	shalt  }
0x53: {  	_ =	shalt  }
0x54: {  	_ =	shalt  }
0x55: {  	_ =	shalt  }
0x56: {  	_ =	shalt  }
0x57: {  	_ =	shalt  }
0x58: {  	_ =	shalt  }
0x59: {  	_ =	shalt  }
0x5a: {  	_ =	shalt  }
0x5b: {  	_ =	shalt  }
0x5c: {  	_ =	shalt  }
0x5d: {  	_ =	shalt  }
0x5e: {  	_ =	shalt  }
0x5f: {  	_ =	shalt  }
0x60: {  	_ =	shalt  }
0x61: {  	_ =	shalt  }
0x62: {  	_ =	shalt  }
0x63: {  	_ =	shalt  }
0x64: {  	_ =	shalt  }
0x65: {  	_ =	shalt  }
0x66: {  	_ =	shalt  }
0x67: {  	_ =	shalt  }
0x68: {  	_ =	shalt  }
0x69: {  	_ =	shalt  }
0x6a: {  	_ =	shalt  }
0x6b: {  	_ =	shalt  }
0x6c: {  	_ =	shalt  }
0x6d: {  	_ =	shalt  }
0x6e: {  	_ =	shalt  }
0x6f: {  	_ =	shalt  }
0x70: {  	_ =	shalt  }
0x71: {  	_ =	shalt  }
0x72: {  	_ =	shalt  }
0x73: {  	_ =	shalt  }
0x74: {  	_ =	shalt  }
0x75: {  	_ =	shalt  }
0x76: {  	_ =	shalt  }
0x77: {  	_ =	shalt  }
0x78: {  	_ =	shalt  }
0x79: {  	_ =	shalt  }
0x7a: {  	_ =	shalt  }
0x7b: {  	_ =	shalt  }
0x7c: {  	_ =	shalt  }
0x7d: {  	_ =	shalt  }
0x7e: {  	_ =	shalt  }
0x7f: {  	_ =	shalt  }
0x80: {  	_ =	shalt  }
0x81: {  	_ =	shalt  }
0x82: {  	_ =	shalt  }
0x83: {  	_ =	shalt  }
0x84: {  	_ =	shalt  }
0x85: {  	_ =	shalt  }
0x86: {  	_ =	shalt  }
0x87: {  	_ =	shalt  }
.Lfunc_end0:
.L_simem_size_0:
called_computation.1_lowered:
.L_overlay_start_0:
0x88: {  	s2 =	sld [smem:$0x3FD9]  }
0x89: {  	s3 =	sld [smem:$0x3FFE];
	_ =	sdelay $0x1  }
0x8a: {  	s1 =	srdreg.scid  }
0x8b: {  	s0 =	sand.u32 $0x1, s1  }
0x8c: {  	s17 =	sshll.u32 s0, $0xA;
	s2 =	sadd.s32 s3, s2  }
0x8d: {  	s2 =	sadd.s32 s2, s17  }
0x8e: {  	[smem:$0x3FC6] =	sst s2  }
0x8f: {  	_ = 	snop  }
0x90: {  	s2 =	sld [smem:$0x3FD0];
	(tm) =	ssettm $0x1  }
0x91: {  	s18 =	sld [smem:$0x3FFB];
	_ =	sdelay $0x3  }
0x92: {  	_ =	strace s18  }
0x93: {  	s3 =	sld [smem:$0x3FFC];
	_ =	sdelay $0x3  }
0x94: {  	_ =	strace s3  }
0x95: {  	s3 =	sld [smem:$0x3FFD];
	_ =	sdelay $0x3  }
0x96: {  	_ =	strace s3  }
0x97: {  	_ =	strace $0x8FFFFFFF  }
0x98: {  	s19 =	sld [smem:$0x3FDB];
	_ =	sdelay $0x1  }
0x99: {  	s4 =	simm.s32 $_scs_section_size  }
0x9a: {  	s5 =	simm.s32 $_size__tile_overlayer_lowered;
	s6 =	simm.s32 $_tile_overlayer_lowered  }
0x9b: {  	s22 =	simm.s32 $0x1BFF;
	s21 =	sshll.u32 s6, $0x1;
	s3 =	sadd.s32 s4, s19  }
0x9c: {  	s7 =	simm.s32 $0x0;
	s20 =	sshll.u32 s5, $0x1;
	s5 =	sadd.s32 s21, s3  }
0x9d: {  	[timem:s7], [sflag:s22] =	dma.local [hbm:s5], s20  }
0x9e: {  	_ =	swait.ge [sflag:s22], s20  }
0x9f: {  	s4 =	ssub.s32 $0x0, s20;
	[sflag:s22] =	ssyncset.done $0x0  }
0xa0: {  	[sflag:s22] =	ssyncadd.s32 s4;
	_ =	sdelay $0x1  }
0xa1: {  	s23 =	simm.s32 $0x1B8B  }
0xa2: {  	_ =	swait.ge [sflag:s23], $0x1  }
0xa3: {  	[sflag:s23] =	ssyncset.done $0x0  }
0xa4: {  	s25 =	simm.s32 $0x1B8E;
	s24 =	sld [smem:$0x3FFE];
	[sflag:s23] =	ssyncadd.s32 $0xFFFFFFFF  }
0xa5: {  	s26 =	simm.s32 $execute0_lowered;
	[smem:$0x3FD2] =	sst s25  }
0xa6: {  	s5 =	sshll.u32 s26, $0x1;
	_ =	strace $0x80000046;
	[dreg:$0x1] =	wrdreg $0xFFFFFFFF  }
0xa7: {  	s28 =	simm.s32 $_size_execute0_lowered;
	s3 =	sadd.s32 s3, s5;
	[dreg:$0x0] =	wrdreg $0x0  }
0xa8: {  	s5 =	sshll.u32 s28, $0x1;
	[dreg:$0x2] =	wrdreg s3  }
0xa9: {  	[dreg:$0x3] =	wrdreg s5  }
0xaa: {  	[dreg:$0x4] =	wrdreg $0xC0  }
0xab: {  	_ =	task [dreg:s7], $0x5FFFF  }
0xac: {  	[dreg:$0x1] =	wrdreg $0xFFFFFFFF  }
0xad: {  	[dreg:$0x0] =	wrdreg $0x60  }
0xae: {  	[dreg:$0x2] =	wrdreg s24  }
0xaf: {  	[dreg:$0x3] =	wrdreg s2  }
0xb0: {  	[dreg:$0x4] =	wrdreg $0x9  }
0xb1: {  	_ =	task.clear_ibuf [dreg:s7], $0x5FFFF;
	_ =	strace $0x90000046  }
0xb2: {  	s29 =	simm.s32 $0x9;
	_ =	strace $0x80000048  }
0xb3: {  	_ =	swait.ge [sflag:s29], $0x1  }
0xb4: {  	[sflag:s29] =	ssyncadd.s32 $0xFFFFFFFF  }
0xb5: {  	_ =	strace $0x90000048  }
0xb6: {  	_ =	sfence  }
0xb7: {  	s30 =	sld [smem:$0x0];
	_ =	sdelay $0x2  }
0xb8: {  	s31 =	sshll.u32 s1, $0xD;
	s1 =	sshrl.u32 s1, $0x2  }
0xb9: {  	s3 =	sand.u32 $0x4000, s31;
	s1 =	sadd.s32 s1, s30  }
0xba: {  	s0 =	sor.u32 s3, s0;
	s1 =	sshll.u32 s1, $0x11  }
0xbb: {  	s0 =	sor.u32 s1, s0  }
0xbc: {  	s0 =	sadd.s32 $0x8F2B, s0  }
0xbd: {  	[sflag:s0] =	ssyncadd.remote.s32 $0x1  }
0xbe: {  	_ =	sfence.sel $0xFFFF  }
0xbf: {  	[dreg:$0x0] =	wrdreg $0xFFFFFFFF;
	(pc) =	sbr.abs _section_cstart, $3  }
0xc0: {  	[dreg:$0x1] =	wrdreg $0xFFFFFFFF  }
0xc1: {  	_ =	task.clear_ibuf [dreg:s7], $0x2FFFF;
	_ =	strace $0x9FFFFFFF  }
0xc2: {  	(tm) =	ssettm $0x7FFFFFFF  }
0xc3: {  	_ =	shalt  }
tec
execute0_lowered:
.L_overlay_start_1:
0x0: {  	(tag) =	ssettag $0x1  }
0x1: {  	s1 =	rddreg [dreg:$0x0]  }
0x2: {  	s7 =	stileid.u32;
	s5 =	rddreg [dreg:$0x1];
	s2 =	simm.s32 $0x0  }
0x3: {  	s0 =	srdreg.scid;
	s15 =	simm.s32 $0x1240;
	[smem:$0x7FF] =	sst s2  }
0x4: {  	s17 =	simm.s32 $0xC8;
	_ =	strace $0x80000047;
	[dreg:$0x4] =	wrdreg s15  }
0x5: {  	s18 =	simm.s32 $0x1F40;
	s19 =	simm.s32 $0x128;
	[dreg:$0x5] =	wrdreg s17  }
0x6: {  	s20 =	simm.s32 $0x2B40;
	s22 =	simm.s32 $0x190;
	[dreg:$0x6] =	wrdreg s18  }
0x7: {  	s23 =	simm.s32 $0x3840;
	s24 =	simm.s32 $0x1F0;
	[dreg:$0x7] =	wrdreg s19  }
0x8: {  	s25 =	simm.s32 $0x4440;
	s26 =	simm.s32 $0x258;
	[dreg:$0x8] =	wrdreg s20  }
0x9: {  	s28 =	simm.s32 $0x5140;
	s29 =	simm.s32 $0x2B8;
	[dreg:$0x9] =	wrdreg s22  }
0xa: {  	s8 =	simm.s32 $0x640;
	s30 =	simm.s32 $0x5D40;
	[dreg:$0xa] =	wrdreg s23  }
0xb: {  	s9 =	simm.s32 $0x68;
	s31 =	simm.s32 $0x380;
	[dreg:$0xb] =	wrdreg s24  }
0xc: {  	s10 =	simm.s32 $0x320;
	s11 =	simm.s32 $0x6A40;
	[dreg:$0xc] =	wrdreg s25  }
0xd: {  	s12 =	simm.s32 $0x7640;
	s13 =	simm.s32 $0x3E8;
	[dreg:$0xd] =	wrdreg s26  }
0xe: {  	s14 =	simm.s32 $0x8340;
	s3 =	smul.u32 $0x6400, s7;
	[dreg:$0xe] =	wrdreg s28  }
0xf: {  	s0 =	sand.u32 $0x1, s0;
	s21 =	smul.u32 $0xC8000, s7;
	[dreg:$0xf] =	wrdreg s29  }
0x10: {  	s7 =	simm.s32 $0x60;
	s4 =	smul.u32 $0x3200, s0;
	[dreg:$0x10] =	wrdreg s30  }
0x11: {  	s16 =	ssub.s32 $0x2, s0;
	s0 =	smul.u32 $0x64000, s0;
	[dreg:$0x11] =	wrdreg s31  }
0x12: {  	s15 =	simm.s32 $0x448;
	s17 =	simm.s32 $0x4B0;
	s18 =	simm.s32 $0x9C40  }
0x13: {  	s19 =	simm.s32 $0x510;
	s20 =	simm.s32 $0xA840;
	s22 =	simm.s32 $0xB540  }
0x14: {  	s23 =	simm.s32 $0x5D8;
	s24 =	simm.s32 $0xC140;
	s25 =	simm.s32 $0x1  }
0x15: {  	s26 =	simm.s32 $0x2;
	s3 =	sadd.s32 s3, s1;
	s6 =	sshrl.u32 s16, $0x1  }
0x16: {  	s5 =	sadd.s32 s21, s5;
	s21 =	simm.s32 $0x578;
	s3 =	sadd.s32 s4, s3  }
0x17: {  	s0 =	sadd.s32 s0, s5;
	s4 =	sadd.s32 $0x1800, s3;
	s3 =	sadd.s32 $0x65800, s1  }
0x18: {  	s0 =	sadd.s32 $0xC80, s0;
	[dreg:$0x3] =	wrdreg s4;
	s4 =	ssub.s32 s16, s6  }
0x19: {  	[dreg:$0x13] =	wrdreg s0;
	s6 =	simm.s32 $0x5;
	s4 =	smax.u32 s4, $0x1  }
0x1a: {  	s16 =	simm.s32 $0x8F40;
	[dreg:$0x12] =	wrdreg s4;
	s4 =	simm.s32 $0x0  }
.LBB2_1:
0x1b: {  	p0 =	por $0x1, $0x1  }
0x1c: {  	[dreg:$0x14] =	wrdreg s4;
	s1 =	simm.s32 @!p0 $0x3  }
0x1d: {  	_ =	swait.ge @!p0 [sflag:s1], $0x6400  }
0x1e: {  	s5 =	rddreg [dreg:$0x3];
	[sflag:s1] =	ssyncset.done @!p0 $0x0  }
0x1f: {  	[sflag:s1] =	ssyncadd.s32 @!p0 $0xFFFF9C00;
	s1 =	sadd.s32 $0x0, s5  }
0x20: {  	[tilespmem:s2], [sflag:$0x5] =	stream.linear.gather [hbm4b:s1+s2], $0x320, $0x38;
	[tilespmem:$0xCE40] =	vst v63  }
0x21: {  	_ =	swait.ge [sflag:s6], $0x320  }
0x22: {  	s30 =	rddreg [dreg:$0x5]  }
0x23: {  	s31 =	rddreg [dreg:$0x4]  }
0x24: {  	[sflag:s6] =	ssyncset.done $0x0;
	s0 =	rddreg [dreg:$0x6]  }
0x25: {  	s28 =	rddreg [dreg:$0x8];
	[sflag:s6] =	ssyncadd.s32 $0xFFFFFCE0  }
0x26: {  	[tilespmem:s8], [sflag:$0x1] =	stream.indirect.gather [hbm4b:s3+s7], $0x20, s2, s7, $0xb8;
	[tilespmem:$0xCE40] =	vst v63  }
0x27: {  	s29 =	rddreg [dreg:$0xa]  }
0x28: {  	[tilespmem:s31], [sflag:$0x1] =	stream.indirect.gather [hbm4b:s3+s9], $0x20, s7, s9, $0xb8;
	[tilespmem:$0xCE40] =	vst v63  }
0x29: {  	s31 =	rddreg [dreg:$0x7]  }
0x2a: {  	[tilespmem:s0], [sflag:$0x1] =	stream.indirect.gather [hbm4b:s3+s7], $0x20, s30, s7, $0xb8;
	[tilespmem:$0xCE40] =	vst v63  }
0x2b: {  	s30 =	rddreg [dreg:$0x9]  }
0x2c: {  	s0 =	rddreg [dreg:$0xc]  }
0x2d: {  	[tilespmem:s28], [sflag:$0x1] =	stream.indirect.gather [hbm4b:s3+s9], $0x20, s31, s9, $0xb8;
	[tilespmem:$0xCE40] =	vst v63  }
0x2e: {  	s31 =	rddreg [dreg:$0xb]  }
0x2f: {  	[tilespmem:s29], [sflag:$0x1] =	stream.indirect.gather [hbm4b:s3+s7], $0x20, s30, s7, $0xb8;
	[tilespmem:$0xCE40] =	vst v63  }
0x30: {  	s29 =	rddreg [dreg:$0xe]  }
0x31: {  	s30 =	rddreg [dreg:$0xd]  }
0x32: {  	[tilespmem:s0], [sflag:$0x1] =	stream.indirect.gather [hbm4b:s3+s9], $0x20, s31, s9, $0xb8;
	[tilespmem:$0xCE40] =	vst v63  }
0x33: {  	s0 =	rddreg [dreg:$0x10]  }
0x34: {  	[tilespmem:s29], [sflag:$0x1] =	stream.indirect.gather [hbm4b:s3+s7], $0x20, s30, s7, $0xb8;
	[tilespmem:$0xCE40] =	vst v63  }
0x35: {  	s4 =	simm.s32 @!p0 $0x4;
	s31 =	rddreg [dreg:$0xf]  }
0x36: {  	[tilespmem:s0], [sflag:$0x1] =	stream.indirect.gather [hbm4b:s3+s9], $0x20, s31, s9, $0xb8;
	[tilespmem:$0xCE40] =	vst v63  }
0x37: {  	_ =	swait.ge @!p0 [sflag:s4], $0x6400  }
0x38: {  	[sflag:s4] =	ssyncset.done @!p0 $0x0  }
0x39: {  	s1 =	sadd.s32 $0x64, s1;
	[sflag:s4] =	ssyncadd.s32 @!p0 $0xFFFF9C00  }
0x3a: {  	[tilespmem:s10], [sflag:$0x5] =	stream.linear.gather [hbm4b:s1+s2], $0x320, $0x38;
	[tilespmem:$0xCE40] =	vst v63  }
0x3b: {  	_ =	swait.ge [sflag:s6], $0x320  }
0x3c: {  	[sflag:s6] =	ssyncset.done $0x0  }
0x3d: {  	[sflag:s6] =	ssyncadd.s32 $0xFFFFFCE0  }
0x3e: {  	[tilespmem:s11], [sflag:$0x2] =	stream.indirect.gather [hbm4b:s3+s7], $0x20, s10, s7, $0xb8;
	[tilespmem:$0xCE40] =	vst v63  }
0x3f: {  	s29 =	rddreg [dreg:$0x11]  }
0x40: {  	[tilespmem:s12], [sflag:$0x2] =	stream.indirect.gather [hbm4b:s3+s9], $0x20, s29, s9, $0xb8;
	[tilespmem:$0xCE40] =	vst v63  }
0x41: {  	_ = 	snop  }
0x42: {  	[tilespmem:s14], [sflag:$0x2] =	stream.indirect.gather [hbm4b:s3+s7], $0x20, s13, s7, $0xb8;
	[tilespmem:$0xCE40] =	vst v63  }
0x43: {  	_ = 	snop  }
0x44: {  	[tilespmem:s16], [sflag:$0x2] =	stream.indirect.gather [hbm4b:s3+s9], $0x20, s15, s9, $0xb8;
	[tilespmem:$0xCE40] =	vst v63  }
0x45: {  	_ = 	snop  }
0x46: {  	[tilespmem:s18], [sflag:$0x2] =	stream.indirect.gather [hbm4b:s3+s7], $0x20, s17, s7, $0xb8;
	[tilespmem:$0xCE40] =	vst v63  }
0x47: {  	_ = 	snop  }
0x48: {  	[tilespmem:s20], [sflag:$0x2] =	stream.indirect.gather [hbm4b:s3+s9], $0x20, s19, s9, $0xb8;
	[tilespmem:$0xCE40] =	vst v63  }
0x49: {  	_ = 	snop  }
0x4a: {  	[tilespmem:s22], [sflag:$0x2] =	stream.indirect.gather [hbm4b:s3+s7], $0x20, s21, s7, $0xb8;
	[tilespmem:$0xCE40] =	vst v63  }
0x4b: {  	_ = 	snop  }
0x4c: {  	[tilespmem:s24], [sflag:$0x2] =	stream.indirect.gather [hbm4b:s3+s9], $0x20, s23, s9, $0xb8;
	[tilespmem:$0xCE40] =	vst v63  }
0x4d: {  	_ =	swait.ge [sflag:s25], $0xC00  }
0x4e: {  	[sflag:s25] =	ssyncset.done $0x0  }
0x4f: {  	[sflag:s25] =	ssyncadd.s32 $0xFFFFF400  }
0x50: {  	_ =	swait.ge [sflag:s25], $0xD00  }
0x51: {  	[sflag:s25] =	ssyncset.done $0x0  }
0x52: {  	[sflag:s25] =	ssyncadd.s32 $0xFFFFF300  }
0x53: {  	_ =	swait.ge [sflag:s25], $0xC00  }
0x54: {  	[sflag:s25] =	ssyncset.done $0x0  }
0x55: {  	[sflag:s25] =	ssyncadd.s32 $0xFFFFF400  }
0x56: {  	_ =	swait.ge [sflag:s25], $0xD00  }
0x57: {  	[sflag:s25] =	ssyncset.done $0x0  }
0x58: {  	[sflag:s25] =	ssyncadd.s32 $0xFFFFF300  }
0x59: {  	_ =	swait.ge [sflag:s25], $0xC00  }
0x5a: {  	[sflag:s25] =	ssyncset.done $0x0  }
0x5b: {  	[sflag:s25] =	ssyncadd.s32 $0xFFFFF400  }
0x5c: {  	_ =	swait.ge [sflag:s25], $0xD00  }
0x5d: {  	[sflag:s25] =	ssyncset.done $0x0  }
0x5e: {  	[sflag:s25] =	ssyncadd.s32 $0xFFFFF300  }
0x5f: {  	_ =	swait.ge [sflag:s25], $0xC00  }
0x60: {  	[sflag:s25] =	ssyncset.done $0x0  }
0x61: {  	[sflag:s25] =	ssyncadd.s32 $0xFFFFF400  }
0x62: {  	_ =	swait.ge [sflag:s25], $0xD00  }
0x63: {  	[sflag:s25] =	ssyncset.done $0x0;
	s31 =	rddreg [dreg:$0x13]  }
0x64: {  	s30 =	sadd.s32 $0xFFFFF380, s31;
	[sflag:s25] =	ssyncadd.s32 $0xFFFFF300  }
0x65: {  	[hbm4b:s30+s2] =	stream.linear.scatter [tilespmem:s8], [sflag:$0x3], $0x6400, $0x38;
	[tilespmem:$0xCE40] =	vst v63  }
0x66: {  	_ =	swait.ge [sflag:s26], $0xC00  }
0x67: {  	[sflag:s26] =	ssyncset.done $0x0  }
0x68: {  	[sflag:s26] =	ssyncadd.s32 $0xFFFFF400  }
0x69: {  	_ =	swait.ge [sflag:s26], $0xD00  }
0x6a: {  	[sflag:s26] =	ssyncset.done $0x0  }
0x6b: {  	[sflag:s26] =	ssyncadd.s32 $0xFFFFF300  }
0x6c: {  	_ =	swait.ge [sflag:s26], $0xC00  }
0x6d: {  	[sflag:s26] =	ssyncset.done $0x0  }
0x6e: {  	[sflag:s26] =	ssyncadd.s32 $0xFFFFF400  }
0x6f: {  	_ =	swait.ge [sflag:s26], $0xD00  }
0x70: {  	[sflag:s26] =	ssyncset.done $0x0  }
0x71: {  	[sflag:s26] =	ssyncadd.s32 $0xFFFFF300  }
0x72: {  	_ =	swait.ge [sflag:s26], $0xC00  }
0x73: {  	[sflag:s26] =	ssyncset.done $0x0  }
0x74: {  	[sflag:s26] =	ssyncadd.s32 $0xFFFFF400  }
0x75: {  	_ =	swait.ge [sflag:s26], $0xD00  }
0x76: {  	[sflag:s26] =	ssyncset.done $0x0  }
0x77: {  	[sflag:s26] =	ssyncadd.s32 $0xFFFFF300  }
0x78: {  	s1 =	simm.s32 $0xC8;
	s5 =	smov.u32 s31;
	_ =	swait.ge [sflag:s26], $0xC00  }
.LBB2_2:
0x79: {  	[sflag:s26] =	ssyncset.done $0x0  }
0x7a: {  	[sflag:s26] =	ssyncadd.s32 $0xFFFFF400  }
0x7b: {  	s4 =	smov.u32 s1;
	_ =	swait.ge [sflag:s26], $0xD00  }
0x7c: {  	p1 =	seq.s32 s4, $0x0;
	[sflag:s26] =	ssyncset.done $0x0  }
0x7d: {  	s28 =	simm.s32 @!p1 $0x3;
	[sflag:s26] =	ssyncadd.s32 $0xFFFFF300  }
0x7e: {  	[hbm4b:s31+s2] =	stream.linear.scatter [tilespmem:s11], [sflag:$0x4], $0x6400, $0x38;
	[tilespmem:$0xCE40] =	vst v63  }
0x7f: {  	_ =	swait.ge @!p1 [sflag:s28], $0x6400  }
0x80: {  	[sflag:s28] =	ssyncset.done @!p1 $0x0;
	s29 =	rddreg [dreg:$0x3]  }
0x81: {  	[sflag:s28] =	ssyncadd.s32 @!p1 $0xFFFF9C00;
	s4 =	sadd.s32 s4, s29  }
0x82: {  	[tilespmem:s2], [sflag:$0x5] =	stream.linear.gather [hbm4b:s4+s2], $0x320, $0x38;
	[tilespmem:$0xCE40] =	vst v63  }
0x83: {  	_ =	swait.ge [sflag:s6], $0x320  }
0x84: {  	s28 =	rddreg [dreg:$0x10]  }
0x85: {  	s29 =	rddreg [dreg:$0xe]  }
0x86: {  	s0 =	rddreg [dreg:$0xc]  }
0x87: {  	s30 =	rddreg [dreg:$0xa]  }
0x88: {  	[sflag:s6] =	ssyncset.done $0x0;
	s12 =	rddreg [dreg:$0x5]  }
0x89: {  	s13 =	rddreg [dreg:$0x4];
	[sflag:s6] =	ssyncadd.s32 $0xFFFFFCE0  }
0x8a: {  	[tilespmem:s8], [sflag:$0x1] =	stream.indirect.gather [hbm4b:s3+s7], $0x20, s2, s7, $0xb8;
	[tilespmem:$0xCE40] =	vst v63  }
0x8b: {  	s14 =	rddreg [dreg:$0x6]  }
0x8c: {  	[tilespmem:s13], [sflag:$0x1] =	stream.indirect.gather [hbm4b:s3+s9], $0x20, s7, s9, $0xb8;
	[tilespmem:$0xCE40] =	vst v63  }
0x8d: {  	s15 =	rddreg [dreg:$0x8]  }
0x8e: {  	[tilespmem:s14], [sflag:$0x1] =	stream.indirect.gather [hbm4b:s3+s7], $0x20, s12, s7, $0xb8;
	[tilespmem:$0xCE40] =	vst v63  }
0x8f: {  	s13 =	rddreg [dreg:$0x7]  }
0x90: {  	[tilespmem:s15], [sflag:$0x1] =	stream.indirect.gather [hbm4b:s3+s9], $0x20, s13, s9, $0xb8;
	[tilespmem:$0xCE40] =	vst v63  }
0x91: {  	s12 =	rddreg [dreg:$0x9]  }
0x92: {  	[tilespmem:s30], [sflag:$0x1] =	stream.indirect.gather [hbm4b:s3+s7], $0x20, s12, s7, $0xb8;
	[tilespmem:$0xCE40] =	vst v63  }
0x93: {  	s13 =	rddreg [dreg:$0xb]  }
0x94: {  	[tilespmem:s0], [sflag:$0x1] =	stream.indirect.gather [hbm4b:s3+s9], $0x20, s13, s9, $0xb8;
	[tilespmem:$0xCE40] =	vst v63  }
0x95: {  	s12 =	rddreg [dreg:$0xd]  }
0x96: {  	[tilespmem:s29], [sflag:$0x1] =	stream.indirect.gather [hbm4b:s3+s7], $0x20, s12, s7, $0xb8;
	[tilespmem:$0xCE40] =	vst v63  }
0x97: {  	s30 =	rddreg [dreg:$0xf];
	s12 =	simm.s32 @!p1 $0x4  }
0x98: {  	[tilespmem:s28], [sflag:$0x1] =	stream.indirect.gather [hbm4b:s3+s9], $0x20, s30, s9, $0xb8;
	[tilespmem:$0xCE40] =	vst v63  }
0x99: {  	_ =	swait.ge @!p1 [sflag:s12], $0x6400  }
0x9a: {  	[sflag:s12] =	ssyncset.done @!p1 $0x0  }
0x9b: {  	s28 =	sadd.s32 $0x64, s4;
	[sflag:s12] =	ssyncadd.s32 @!p1 $0xFFFF9C00  }
0x9c: {  	[tilespmem:s10], [sflag:$0x5] =	stream.linear.gather [hbm4b:s28+s2], $0x320, $0x38;
	[tilespmem:$0xCE40] =	vst v63  }
0x9d: {  	_ =	swait.ge [sflag:s6], $0x320  }
0x9e: {  	[sflag:s6] =	ssyncset.done $0x0  }
0x9f: {  	[sflag:s6] =	ssyncadd.s32 $0xFFFFFCE0  }
0xa0: {  	[tilespmem:s11], [sflag:$0x2] =	stream.indirect.gather [hbm4b:s3+s7], $0x20, s10, s7, $0xb8;
	[tilespmem:$0xCE40] =	vst v63  }
0xa1: {  	s12 =	simm.s32 $0x7640;
	s29 =	rddreg [dreg:$0x11]  }
0xa2: {  	[tilespmem:s12], [sflag:$0x2] =	stream.indirect.gather [hbm4b:s3+s9], $0x20, s29, s9, $0xb8;
	[tilespmem:$0xCE40] =	vst v63  }
0xa3: {  	s14 =	simm.s32 $0x8340;
	s13 =	simm.s32 $0x3E8  }
0xa4: {  	[tilespmem:s14], [sflag:$0x2] =	stream.indirect.gather [hbm4b:s3+s7], $0x20, s13, s7, $0xb8;
	[tilespmem:$0xCE40] =	vst v63  }
0xa5: {  	s15 =	simm.s32 $0x448  }
0xa6: {  	[tilespmem:s16], [sflag:$0x2] =	stream.indirect.gather [hbm4b:s3+s9], $0x20, s15, s9, $0xb8;
	[tilespmem:$0xCE40] =	vst v63  }
0xa7: {  	_ = 	snop  }
0xa8: {  	[tilespmem:s18], [sflag:$0x2] =	stream.indirect.gather [hbm4b:s3+s7], $0x20, s17, s7, $0xb8;
	[tilespmem:$0xCE40] =	vst v63  }
0xa9: {  	_ = 	snop  }
0xaa: {  	[tilespmem:s20], [sflag:$0x2] =	stream.indirect.gather [hbm4b:s3+s9], $0x20, s19, s9, $0xb8;
	[tilespmem:$0xCE40] =	vst v63  }
0xab: {  	_ = 	snop  }
0xac: {  	[tilespmem:s22], [sflag:$0x2] =	stream.indirect.gather [hbm4b:s3+s7], $0x20, s21, s7, $0xb8;
	[tilespmem:$0xCE40] =	vst v63  }
0xad: {  	_ = 	snop  }
0xae: {  	[tilespmem:s24], [sflag:$0x2] =	stream.indirect.gather [hbm4b:s3+s9], $0x20, s23, s9, $0xb8;
	[tilespmem:$0xCE40] =	vst v63  }
0xaf: {  	_ =	swait.ge [sflag:s25], $0xC00  }
0xb0: {  	[sflag:s25] =	ssyncset.done $0x0  }
0xb1: {  	[sflag:s25] =	ssyncadd.s32 $0xFFFFF400  }
0xb2: {  	_ =	swait.ge [sflag:s25], $0xD00  }
0xb3: {  	[sflag:s25] =	ssyncset.done $0x0  }
0xb4: {  	[sflag:s25] =	ssyncadd.s32 $0xFFFFF300  }
0xb5: {  	_ =	swait.ge [sflag:s25], $0xC00  }
0xb6: {  	[sflag:s25] =	ssyncset.done $0x0  }
0xb7: {  	[sflag:s25] =	ssyncadd.s32 $0xFFFFF400  }
0xb8: {  	_ =	swait.ge [sflag:s25], $0xD00  }
0xb9: {  	[sflag:s25] =	ssyncset.done $0x0  }
0xba: {  	[sflag:s25] =	ssyncadd.s32 $0xFFFFF300  }
0xbb: {  	_ =	swait.ge [sflag:s25], $0xC00  }
0xbc: {  	[sflag:s25] =	ssyncset.done $0x0  }
0xbd: {  	[sflag:s25] =	ssyncadd.s32 $0xFFFFF400  }
0xbe: {  	_ =	swait.ge [sflag:s25], $0xD00  }
0xbf: {  	[sflag:s25] =	ssyncset.done $0x0  }
0xc0: {  	[sflag:s25] =	ssyncadd.s32 $0xFFFFF300  }
0xc1: {  	_ =	swait.ge [sflag:s25], $0xC00  }
0xc2: {  	[sflag:s25] =	ssyncset.done $0x0  }
0xc3: {  	[sflag:s25] =	ssyncadd.s32 $0xFFFFF400  }
0xc4: {  	_ =	swait.ge [sflag:s25], $0xD00  }
0xc5: {  	s5 =	sadd.s32 $0x1900, s5;
	[sflag:s25] =	ssyncset.done $0x0  }
0xc6: {  	s30 =	sadd.s32 $0xFFFFF380, s5;
	[sflag:s25] =	ssyncadd.s32 $0xFFFFF300  }
0xc7: {  	[hbm4b:s30+s2] =	stream.linear.scatter [tilespmem:s8], [sflag:$0x3], $0x6400, $0x38;
	[tilespmem:$0xCE40] =	vst v63  }
0xc8: {  	_ =	swait.ge [sflag:s26], $0xC00  }
0xc9: {  	[sflag:s26] =	ssyncset.done $0x0  }
0xca: {  	[sflag:s26] =	ssyncadd.s32 $0xFFFFF400  }
0xcb: {  	_ =	swait.ge [sflag:s26], $0xD00  }
0xcc: {  	[sflag:s26] =	ssyncset.done $0x0  }
0xcd: {  	[sflag:s26] =	ssyncadd.s32 $0xFFFFF300  }
0xce: {  	_ =	swait.ge [sflag:s26], $0xC00  }
0xcf: {  	[sflag:s26] =	ssyncset.done $0x0  }
0xd0: {  	[sflag:s26] =	ssyncadd.s32 $0xFFFFF400  }
0xd1: {  	_ =	swait.ge [sflag:s26], $0xD00  }
0xd2: {  	[sflag:s26] =	ssyncset.done $0x0  }
0xd3: {  	[sflag:s26] =	ssyncadd.s32 $0xFFFFF300  }
0xd4: {  	s1 =	sadd.s32 $0xC8, s1;
	_ =	swait.ge [sflag:s26], $0xC00  }
0xd5: {  	p0 =	sne.s32 s1, $0x3200;
	[sflag:s26] =	ssyncset.done $0x0  }
.Ltmp0:
0xd6: {  	[sflag:s26] =	ssyncadd.s32 $0xFFFFF400;
	(pc) =	sbr.rel @p0 .LBB2_2-.Ltmp0, $4  }
0xd7: {  	_ =	swait.ge [sflag:s26], $0xD00  }
0xd8: {  	[sflag:s26] =	ssyncset.done $0x0  }
0xd9: {  	[sflag:s26] =	ssyncadd.s32 $0xFFFFF300  }
0xda: {  	s31 =	smov.u32 s5;
	_ =	swait.ge [sflag:s26], $0xC00  }
0xdb: {  	[sflag:s26] =	ssyncset.done $0x0  }
0xdc: {  	[sflag:s26] =	ssyncadd.s32 $0xFFFFF400  }
0xdd: {  	_ =	swait.ge [sflag:s26], $0xD00  }
0xde: {  	[sflag:s26] =	ssyncset.done $0x0  }
0xdf: {  	s0 =	simm.s32 $0x3;
	[sflag:s26] =	ssyncadd.s32 $0xFFFFF300  }
0xe0: {  	[hbm4b:s31+s2] =	stream.linear.scatter [tilespmem:s11], [sflag:$0x4], $0x6400, $0x38;
	[tilespmem:$0xCE40] =	vst v63  }
0xe1: {  	_ =	swait.ge [sflag:s0], $0x6400  }
0xe2: {  	[sflag:s0] =	ssyncset.done $0x0  }
0xe3: {  	s1 =	simm.s32 $0x4;
	[sflag:s0] =	ssyncadd.s32 $0xFFFF9C00  }
0xe4: {  	_ =	swait.ge [sflag:s1], $0x6400  }
0xe5: {  	s4 =	rddreg [dreg:$0x14]  }
0xe6: {  	s31 =	rddreg [dreg:$0x12];
	s4 =	sadd.s32 $0x1, s4  }
0xe7: {  	p0 =	sne.s32 s4, s31  }
.Ltmp1:
0xe8: {  	_ = 	snop;
	(pc) =	sbr.rel @p0 .LBB2_1-.Ltmp1, $3  }
0xe9: {  	_ =	sdelay $0x1  }
0xea: {  	[sflag:s1] =	ssyncset.done $0x0  }
0xeb: {  	[sflag:s1] =	ssyncadd.s32 $0xFFFF9C00  }
0xec: {  	_ =	sfence.sel $0x180000  }
0xed: {  	[bflag:$0x0] =	sbarrier.arrive $0xFFFF  }
0xee: {  	_ =	strace $0x90000047  }
0xef: {  	s0 =	stileid.u32;
	[bflag:$0x2] =	sbarrier.arrive $0xFFFF  }
0xf0: {  	p0 =	sne.s32 s0, $0x0;
	s0 =	rddreg [dreg:$0x2]  }
0xf1: {  	s0 =	sadd.s32 @!p0 $0x100000, s0  }
0xf2: {  	[sflag:s0] =	ssyncadd.tile.s32 @!p0 $0x1;
	_ =	shalt  }
.Lfunc_end2:
_tile_overlayer_lowered:
.L_overlay_start_2:
0xf3: {  	(tag) =	ssettag $0x2  }
0xf4: {  	s0 =	rddreg [dreg:$0x0];
	s2 =	stileid.u32  }
0xf5: {  	s1 =	rddreg [dreg:$0x1];
	p0 =	sne.s32 s2, $0x0  }
0xf6: {  	s3 =	rddreg [dreg:$0x2];
	[bflag:$0x3] =	sbarrier.arrive $0xFFFF;
	s2 =	simm.s32 @!p0 $0x1C05  }
0xf7: {  	[timem:s3], [sflag:s2] =	dma.local @!p0 [hbm:s0], s1  }
0xf8: {  	s0 =	simm.s32 @!p0 $0x5  }
0xf9: {  	_ =	swait.ge @!p0 [sflag:s0], s1  }
0xfa: {  	s1 =	ssub.s32 @!p0 $0x0, s1;
	[sflag:s0] =	ssyncset.done @!p0 $0x0  }
0xfb: {  	[sflag:s0] =	ssyncadd.s32 @!p0 s1  }
0xfc: {  	[bflag:$0x3] =	sbarrier.arrive $0xFFFF  }
0xfd: {  	_ =	shalt  }

// kernel: sparse-core-data-format-call.cloned.1.call-start
scs
called_computation_lowered:
.L_overlay_start_0:
0x0: {  	s2 =	sld [smem:$0x3FD9]  }
0x1: {  	s3 =	sld [smem:$0x3FFE];
	_ =	sdelay $0x1  }
0x2: {  	s1 =	srdreg.scid  }
0x3: {  	s0 =	sand.u32 $0x1, s1  }
0x4: {  	s18 =	sshll.u32 s0, $0xA;
	s2 =	sadd.s32 s3, s2  }
0x5: {  	s2 =	sadd.s32 s2, s18  }
0x6: {  	[smem:$0x3FC6] =	sst s2  }
0x7: {  	_ = 	snop  }
0x8: {  	s2 =	sld [smem:$0x3FD0];
	(tm) =	ssettm $0x1  }
0x9: {  	s19 =	sld [smem:$0x3FFB];
	_ =	sdelay $0x3  }
0xa: {  	_ =	strace s19  }
0xb: {  	s3 =	sld [smem:$0x3FFC];
	_ =	sdelay $0x3  }
0xc: {  	_ =	strace s3  }
0xd: {  	s3 =	sld [smem:$0x3FFD];
	_ =	sdelay $0x3  }
0xe: {  	_ =	strace s3  }
0xf: {  	_ =	strace $0x8FFFFFFF  }
0x10: {  	s20 =	sld [smem:$0x3FDB];
	_ =	sdelay $0x1  }
0x11: {  	s4 =	simm.s32 $_scs_section_size  }
0x12: {  	s5 =	simm.s32 $_size__tile_overlayer_lowered;
	s6 =	simm.s32 $_tile_overlayer_lowered  }
0x13: {  	s23 =	simm.s32 $0x1BFF;
	s22 =	sshll.u32 s6, $0x1;
	s3 =	sadd.s32 s4, s20  }
0x14: {  	s7 =	simm.s32 $0x0;
	s21 =	sshll.u32 s5, $0x1;
	s5 =	sadd.s32 s22, s3  }
0x15: {  	[timem:s7], [sflag:s23] =	dma.local [hbm:s5], s21  }
0x16: {  	_ =	swait.ge [sflag:s23], s21  }
0x17: {  	s4 =	ssub.s32 $0x0, s21;
	[sflag:s23] =	ssyncset.done $0x0  }
0x18: {  	[sflag:s23] =	ssyncadd.s32 s4;
	_ =	sdelay $0x1  }
0x19: {  	s24 =	simm.s32 $0x1B8B  }
0x1a: {  	_ =	swait.ge [sflag:s24], $0x1  }
0x1b: {  	[sflag:s24] =	ssyncset.done $0x0  }
0x1c: {  	s26 =	simm.s32 $0x1B8E;
	s25 =	sld [smem:$0x3FFE];
	[sflag:s24] =	ssyncadd.s32 $0xFFFFFFFF  }
0x1d: {  	s27 =	simm.s32 $execute0_lowered;
	[smem:$0x3FD2] =	sst s26  }
0x1e: {  	s5 =	sshll.u32 s27, $0x1;
	_ =	strace $0x80000049;
	[dreg:$0x1] =	wrdreg $0xFFFFFFFF  }
0x1f: {  	s28 =	simm.s32 $_size_execute0_lowered;
	s3 =	sadd.s32 s3, s5;
	[dreg:$0x0] =	wrdreg $0x0  }
0x20: {  	s5 =	sshll.u32 s28, $0x1;
	[dreg:$0x2] =	wrdreg s3  }
0x21: {  	[dreg:$0x3] =	wrdreg s5  }
0x22: {  	[dreg:$0x4] =	wrdreg $0xC0  }
0x23: {  	_ =	task [dreg:s7], $0x5FFFF  }
0x24: {  	[dreg:$0x1] =	wrdreg $0xFFFFFFFF  }
0x25: {  	[dreg:$0x0] =	wrdreg $0x60  }
0x26: {  	[dreg:$0x2] =	wrdreg s25  }
0x27: {  	[dreg:$0x3] =	wrdreg s2  }
0x28: {  	[dreg:$0x4] =	wrdreg $0x9  }
0x29: {  	_ =	task.clear_ibuf [dreg:s7], $0x5FFFF;
	_ =	strace $0x90000049  }
0x2a: {  	s29 =	simm.s32 $0x9;
	_ =	strace $0x8000004B  }
0x2b: {  	_ =	swait.ge [sflag:s29], $0x1  }
0x2c: {  	[sflag:s29] =	ssyncadd.s32 $0xFFFFFFFF  }
0x2d: {  	_ =	strace $0x9000004B  }
0x2e: {  	_ =	sfence  }
0x2f: {  	s30 =	sld [smem:$0x0];
	_ =	sdelay $0x2  }
0x30: {  	s31 =	sshll.u32 s1, $0xD;
	s1 =	sshrl.u32 s1, $0x2  }
0x31: {  	s3 =	sand.u32 $0x4000, s31;
	s1 =	sadd.s32 s1, s30  }
0x32: {  	s0 =	sor.u32 s3, s0;
	s1 =	sshll.u32 s1, $0x11  }
0x33: {  	s0 =	sor.u32 s1, s0  }
0x34: {  	s0 =	sadd.s32 $0x8F2B, s0  }
0x35: {  	[sflag:s0] =	ssyncadd.remote.s32 $0x1  }
0x36: {  	_ =	sfence.sel $0xFFFF  }
0x37: {  	[dreg:$0x0] =	wrdreg $0xFFFFFFFF;
	(pc) =	sbr.abs _section_cstart, $3  }
0x38: {  	[dreg:$0x1] =	wrdreg $0xFFFFFFFF  }
0x39: {  	_ =	task.clear_ibuf [dreg:s7], $0x2FFFF;
	_ =	strace $0x9FFFFFFF  }
0x3a: {  	(tm) =	ssettm $0x7FFFFFFF  }
0x3b: {  	_ =	shalt  }
tec
execute0_lowered:
.L_overlay_start_1:
0x0: {  	(tag) =	ssettag $0x1  }
0x1: {  	s0 =	srdreg.scid  }
0x2: {  	s1 =	sshll.u32 s0, $0x4  }
0x3: {  	s0 =	stileid.u32;
	s1 =	sand.u32 $0x10, s1  }
0x4: {  	s1 =	sor.u32 s0, s1  }
0x5: {  	s6 =	rddreg [dreg:$0x0];
	s4 =	simm.s32 $0x1;
	s2 =	sshll.u32 s1, $0x7  }
0x6: {  	s7 =	simm.s32 $0x2;
	s12 =	simm.s32 $0x0;
	s1 =	ssub.s32 $0x4000, s2  }
0x7: {  	s8 =	simm.s32 $0x20000;
	s13 =	simm.s32 $0x0;
	s3 =	sand.u32 $0xF80, s1  }
0x8: {  	s9 =	simm.s32 $0x0;
	s5 =	sshrl.u32 s1, $0xC;
	p0 =	sne.s32 s3, $0x0  }
.Ltmp0:
0x9: {  	s1 =	rddreg [dreg:$0x2];
	s4 =	simm.s32 @!p0 $0x0;
	(pc) =	sbr.rel .LBB1_1-.Ltmp0, $4  }
0xa: {  	s11 =	simm.s32 $0x0;
	s3 =	rddreg [dreg:$0x1];
	s5 =	sadd.s32 s4, s5  }
0xb: {  	_ =	strace $0x8000004A;
	s4 =	simm.s32 $0x1;
	s5 =	smul.u32 $0xC8, s5  }
0xc: {  	s6 =	sadd.s32 $0x1800, s6;
	s10 =	smov.u32 s2;
	[sflag:s4] =	ssyncpa.u1 $0x0  }
0xd: {  	p0 =	por $0x0, $0x0;
	[sflag:s7] =	ssyncpa.u1 $0x0;
	s7 =	sor.u32 $0x1, s5  }
.LBB1_4:
0xe: {  	s16 =	sshll.u32 s13, $0x3;
	s17 =	sand.u32 $0x78, s13  }
0xf: {  	s30 =	sand.u32 $0xF800, s13;
	s12 =	sshll.u32 s12, $0x10;
	s16 =	sand.u32 $0x3C00, s16  }
0x10: {  	s31 =	sand.u32 $0x7, s13;
	s16 =	sor.u32 s17, s16;
	s17 =	sadd.s32 s3, s30  }
0x11: {  	s13 =	sshll.u32 s31, $0x12;
	s16 =	sshrl.u32 s16, $0x3;
	s12 =	sadd.s32 s12, s17  }
0x12: {  	[tilespmem:s15+$0x0 ss:$0x81] =	vst.msk $0xffff, v0;
	s13 =	sor.u32 $0x400, s13;
	s12 =	sadd.s32 s16, s12  }
0x13: {  	[hbm4b:s12+s13] =	stream.strided.scatter [tilespmem:s14], [sflag:$0x2], $0x1000, s8, s13, $0x20;
	[tilespmem:$0x4040] =	vst v63  }
.LBB1_5:
0x14: {  	s14 =	sadd.s32 $0x1, s9  }
0x15: {  	s12 =	sadd.s32 $0x1000, s10;
	s16 =	smov.u32 s10;
	p2 =	sgt.s32 s14, $0xC7  }
0x16: {  	s16 =	smov.u32 @p2 s12  }
0x17: {  	s14 =	simm.s32 @p2 $0x0;
	p2 =	sgt.s32 s16, $0x3FFF  }
0x18: {  	s16 =	smov.u32 @p2 s2;
	p2 =	sne.s32 s11, s7  }
.Ltmp1:
0x19: {  	p1 =	slt.u32 s11, $0x2;
	(pc) =	sbr.rel @!p2 .LBB1_6-.Ltmp1, $4  }
0x1a: {  	s15 =	simm.s32 @!p1 $0x2  }
0x1b: {  	s13 =	smov.u32 s10;
	p0 =	por !p0, !p0;
	_ =	swait.ge @!p1 [sflag:s15], $0x1000  }
0x1c: {  	s12 =	smov.u32 s9;
	[sflag:s15] =	ssyncset.done @!p1 $0x0;
	s9 =	smov.u32 s14  }
0x1d: {  	s11 =	sadd.s32 $0x1, s11;
	[sflag:s15] =	ssyncadd.s32 @!p1 $0xFFFFF000;
	s10 =	smov.u32 s16  }
.LBB1_1:
0x1e: {  	p1 =	sge.u32 s11, s5  }
0x1f: {  	s14 =	sand.u32 @!p1 $0x1FFFFFF, s9  }
0x20: {  	s15 =	smulhi.u32 @!p1 $0x147AE15, s14;
	_ =	sdelay $0x1  }
0x21: {  	s15 =	smul.u32 @!p1 $0xC8, s15  }
0x22: {  	s16 =	sxor.u32 @!p1 $0xFFFFFFFF, s11;
	s17 =	smul.u32 @!p1 $0xC80, s10  }
0x23: {  	s31 =	sadd.s32 $0xFFFFFFFF, s11;
	s16 =	sshll.u32 @!p1 s16, $0xC;
	s14 =	ssub.s32 @!p1 s14, s15  }
0x24: {  	s15 =	sand.u32 @!p1 $0x1000, s16;
	s16 =	sadd.s32 @!p1 s6, s17;
	s14 =	sshll.u32 @!p1 s14, $0x4  }
0x25: {  	s17 =	simm.s32 @!p1 $0x6400;
	s14 =	sadd.s32 @!p1 s14, s16;
	s16 =	simm.s32 @!p1 $0x20  }
0x26: {  	[tilespmem:s15], [sflag:$0x1] =	stream.strided.gather @!p1 [hbm4b:s14+s16], $0x1000, s17, s16, $0x38;
	[tilespmem:$0x4040] =	vst v63  }
0x27: {  	p1 =	sge.u32 s31, s5  }
.Ltmp2:
0x28: {  	_ = 	snop;
	(pc) =	sbr.rel @p1 .LBB1_5-.Ltmp2, $1  }
0x29: {  	_ =	sdelay $0x3  }
0x2a: {  	s14 =	simm.s32 $0x1  }
0x2b: {  	_ =	swait.ge [sflag:s4], $0x1000;
	s14 =	simm.s32 @!p0 $0x0  }
0x2c: {  	[sflag:s4] =	ssyncset.done $0x0;
	s15 =	sshll.u32 s14, $0xC  }
0x2d: {  	[sflag:s4] =	ssyncadd.s32 $0xFFFFF000;
	s18 =	sor.u32 $0x10, s15  }
0x2e: {  	s14 =	smul.u32 $0x4080, s14;
	v1 =	vld [tilespmem:s18+$0x0]  }
0x2f: {  	s30 =	sand.u32 $0x1, s11;
	v0 =	vld [tilespmem:s18+$0xFFFFFFF0]  }
0x30: {  	s15 =	smul.u32 $0x4080, s30;
	s14 =	sshrl.u32 s14, $0x2  }
0x31: {  	s16 =	sor.u32 $0x2000, s14  }
0x32: {  	s31 =	sshrl.u32 s15, $0x2;
	s15 =	sadd.s32 $0x0, s16  }
0x33: {  	s17 =	simm.s32 $0x4;
	s18 =	sadd.s32 $0x20, s18;
	s14 =	sor.u32 $0x2000, s31;
	[tilespmem:s15+$0x810 ss:$0x81] =	vst.msk $0xffff, v1  }
.LBB1_3:
0x34: {  	v1 =	vld [tilespmem:s18+$0x0];
	p1 =	sne.s32 s17, $0x1FC;
	[tilespmem:s15+$0x0 ss:$0x81] =	vst.msk $0xffff, v0;
	s15 =	smov.u32 s17;
	s17 =	sadd.s32 $0x4, s17  }
.Ltmp3:
0x35: {  	v0 =	vld [tilespmem:s18+$0xFFFFFFF0];
	(pc) =	sbr.rel @p1 .LBB1_3-.Ltmp3, $4  }
0x36: {  	_ = 	snop  }
0x37: {  	s15 =	sshra.s32 s15, $0x2  }
0x38: {  	s15 =	sadd.s32 s15, s16  }
0x39: {  	s18 =	sadd.s32 $0x20, s18;
	[tilespmem:s15+$0x810 ss:$0x81] =	vst.msk $0xffff, v1  }
.Ltmp4:
0x3a: {  	_ = 	snop;
	(pc) =	sbr.rel .LBB1_4-.Ltmp4, $1  }
0x3b: {  	_ =	sdelay $0x3  }
.LBB1_6:
0x3c: {  	_ =	sfence.sel $0x180000  }
0x3d: {  	s2 =	simm.s32 $0x1;
	[bflag:$0x0] =	sbarrier.arrive $0xFFFF  }
0x3e: {  	s31 =	simm.s32 $0x2;
	[sflag:s2] =	ssyncpa.u1 $0x1  }
0x3f: {  	[sflag:s31] =	ssyncpa.u1 $0x1  }
0x40: {  	p0 =	sne.s32 s0, $0x0;
	_ =	strace $0x9000004A  }
0x41: {  	s0 =	sadd.s32 @!p0 $0x100000, s1;
	[bflag:$0x2] =	sbarrier.arrive $0xFFFF  }
0x42: {  	[sflag:s0] =	ssyncadd.tile.s32 @!p0 $0x1;
	_ =	shalt  }
.Lfunc_end1:
_tile_overlayer_lowered:
.L_overlay_start_2:
0x43: {  	(tag) =	ssettag $0x2  }
0x44: {  	s0 =	rddreg [dreg:$0x0];
	s2 =	stileid.u32  }
0x45: {  	s1 =	rddreg [dreg:$0x1];
	p0 =	sne.s32 s2, $0x0  }
0x46: {  	s3 =	rddreg [dreg:$0x2];
	[bflag:$0x3] =	sbarrier.arrive $0xFFFF;
	s2 =	simm.s32 @!p0 $0x1C01  }
0x47: {  	[timem:s3], [sflag:s2] =	dma.local @!p0 [hbm:s0], s1  }
0x48: {  	s0 =	simm.s32 @!p0 $0x1  }
0x49: {  	_ =	swait.ge @!p0 [sflag:s0], s1  }
0x4a: {  	s1 =	ssub.s32 @!p0 $0x0, s1;
	[sflag:s0] =	ssyncset.done @!p0 $0x0  }
0x4b: {  	[sflag:s0] =	ssyncadd.s32 @!p0 s1  }
0x4c: {  	[bflag:$0x3] =	sbarrier.arrive $0xFFFF  }
0x4d: {  	_ =	shalt  }

</sc_bundles>
